<compile_context>
chip_gen: v7x
topology: tpu7x:2x2x1
jax: 0.10.2.dev20260603
libtpu: 0.0.44.dev20260713+nightly
codegen_flags: <defaults>
</compile_context>

<pallas_src>
import functools

import jax
import jax.numpy as jnp
from jax import lax
from jax.experimental import pallas as pl
from jax.experimental.pallas import tpu as pltpu
from jax.experimental.pallas import tpu_sc as plsc

_B = 8
_S = 2048
_V = 2048
_D = 64
_K = 1000
_TOK = 32000


def _sc_hist_body(ids_hbm, out_hbm, idx_v, hist_v, sem):
    c = lax.axis_index("c")
    s = lax.axis_index("s")
    b = s * 2 + c

    @pl.when(b < _B)
    def _():
        cp = pltpu.async_copy(ids_hbm.at[b], idx_v, sem)
        zeros16 = jnp.zeros((16,), jnp.float32)

        def zbody(i, _):
            base = i * 256
            for j in range(16):
                hist_v[pl.ds(base + j * 16, 16)] = zeros16
            return 0

        lax.fori_loop(0, _TOK // 256, zbody, 0)
        cp.wait()
        ones16 = jnp.ones((16,), jnp.float32)

        def sbody(k, _):
            base = k * 64
            for j in range(4):
                ids16 = idx_v[pl.ds(base + j * 16, 16)]
                plsc.addupdate_scatter(hist_v, [ids16], ones16)
            return 0

        lax.fori_loop(0, _S // 64, sbody, 0)
        pltpu.sync_copy(hist_v, out_hbm.at[b])


@functools.cache
def _sc_hist():
    return pl.kernel(
        _sc_hist_body,
        out_type=jax.ShapeDtypeStruct((_B, _TOK), jnp.float32),
        mesh=plsc.VectorSubcoreMesh(core_axis_name="c", subcore_axis_name="s"),
        scratch_types=[
            pltpu.VMEM((_S,), jnp.int32),
            pltpu.VMEM((_TOK,), jnp.float32),
            pltpu.SemaphoreType.DMA,
        ],
        compiler_params=pltpu.CompilerParams(needs_layout_passes=False,
                                             skip_device_barrier=True),
    )


def _lane_count(mask_bool):
    return jnp.sum(mask_bool.astype(jnp.float32), axis=1, keepdims=True)


def _tc_head_body(counts_ref, embt_ref, mask_ref, w_ref, b_ref, gum_ref,
                  values_ref, logprobs_ref, actions_ref):
    psum = lax.dot_general(
        counts_ref[...].astype(jnp.bfloat16), embt_ref[...],
        (((1,), (1,)), ((), ())),
        preferred_element_type=jnp.float32,
    )
    mask = mask_ref[...].astype(jnp.float32)
    denom = jnp.maximum(jnp.sum(mask, axis=1, keepdims=True), 1e-6)
    pooled = psum / denom

    logits = jnp.dot(pooled, w_ref[...],
                     preferred_element_type=jnp.float32,
                     precision=lax.Precision.HIGHEST) + b_ref[...]

    rowmax = jnp.max(logits, axis=1, keepdims=True)
    values_ref[...] = jnp.transpose(jax.nn.sigmoid(rowmax))

    shifted = logits - rowmax
    lse = jnp.log(jnp.sum(jnp.exp(shifted), axis=1, keepdims=True))
    logp = shifted - lse

    g0 = logits + gum_ref[...]
    s = lax.bitcast_convert_type(g0, jnp.int32)
    skey = jnp.where(s >= 0, s, s ^ jnp.int32(0x7FFFFFFF))

    t0 = jnp.full((_B, 1), jnp.int32(-2147483648))
    kf = jnp.float32(_K)

    def vbody(i, t):
        bit = (jnp.int32(28) - 4 * i).astype(jnp.int32)
        step = lax.shift_left(jnp.int32(1), bit)
        q = jnp.zeros((_B, 1), jnp.int32)
        for m in range(1, 16):
            cnt = _lane_count(skey >= t + m * step)
            q = q + (cnt >= kf).astype(jnp.int32)
        return t + q * step

    t = lax.fori_loop(0, 8, vbody, t0)

    sel_gt = skey > t
    cnt_gt = _lane_count(sel_gt)
    need = kf - cnt_gt
    eq = skey == t
    cnt_eq = _lane_count(eq)

    idx = lax.broadcasted_iota(jnp.int32, (_B, _V), 1)

    def tie_break(_):
        def ibody(i, cacc):
            bit = (jnp.int32(8) - 4 * i).astype(jnp.int32)
            step = lax.shift_left(jnp.int32(1), bit)
            q = jnp.zeros((_B, 1), jnp.int32)
            for m in range(1, 16):
                cnt = _lane_count(eq & (idx < cacc + m * step))
                q = q + (cnt < need).astype(jnp.int32)
            return cacc + q * step

        return lax.fori_loop(0, 3, ibody, jnp.zeros((_B, 1), jnp.int32))

    any_surplus = jnp.any(cnt_eq > need)
    c = lax.cond(any_surplus, tie_break,
                 lambda _: jnp.full((_B, 1), jnp.int32(_V)), None)

    sel = sel_gt | (eq & (idx <= c))
    actions = sel.astype(jnp.float32)
    actions_ref[...] = actions
    logprobs_ref[...] = logp * actions


def _tc_head(counts, embt, attention_mask, w, b_cls, gumbel):
    return pl.pallas_call(
        _tc_head_body,
        out_shape=(
            jax.ShapeDtypeStruct((1, _B), jnp.float32),
            jax.ShapeDtypeStruct((_B, _V), jnp.float32),
            jax.ShapeDtypeStruct((_B, _V), jnp.float32),
        ),
    )(counts, embt, attention_mask, w, b_cls, gumbel)


def kernel(input_ids, attention_mask, emb_table, W_cls, b_cls, gumbel_noise):
    counts = _sc_hist()(input_ids.astype(jnp.int32))
    vals, logprobs, actions = _tc_head(
        counts, emb_table.T.astype(jnp.bfloat16),
        attention_mask.astype(jnp.int32), W_cls,
        b_cls.reshape(1, _V), gumbel_noise)
    return (vals.reshape(_B), logprobs, actions)

# --- scband reference (transcript-rebuilt; emitter-appended) ---
"""Pipeline reference for scband-selection-head-17420387353203 (READ-ONLY COPY).

The authoritative reference and input builder live on the scoring server;
editing this copy changes nothing except your own understanding.
"""

import jax, jax.numpy as jnp
import numpy as np

K_SELECT = 1000
TAU = 1.0
EPSILON = float(np.finfo(np.float32).tiny)

B = 8
S = 2048
V = 2048
D = 64
TOK_VOCAB = 32000


def encoder_logits(input_ids, attention_mask, emb_table, W_cls, b_cls):
    # proxy sequence-classification encoder: embed -> masked mean pool -> linear head
    x = jnp.take(emb_table, input_ids, axis=0)          # [B, S, D]
    m = attention_mask.astype(jnp.float32)[..., None]   # [B, S, 1]
    pooled = (x * m).sum(axis=1) / jnp.maximum(m.sum(axis=1), 1e-6)  # [B, D]
    return pooled @ W_cls + b_cls                        # [B, V]


def subset_operator(scores, gumbel_noise):
    # faithful SubsetOperator (relaxed top-k via iterative softmax, hard straight-through)
    g0 = scores + gumbel_noise
    khot0 = jnp.zeros_like(scores)
    onehot0 = jnp.zeros_like(scores)

    def step(carry, _):
        g, khot, onehot_approx = carry
        khot_mask = jnp.maximum(1.0 - onehot_approx, EPSILON)
        g = g + jnp.log(khot_mask)
        onehot_approx = jax.nn.softmax(g / TAU, axis=-1)
        khot = khot + onehot_approx
        return (g, khot, onehot_approx), None

    (g, khot, onehot_approx), _ = jax.lax.scan(step, (g0, khot0, onehot0), None, length=K_SELECT)

    # hard k-hot with straight-through estimator
    _, ind = jax.lax.top_k(khot, K_SELECT)               # [B, k]
    rows = jnp.arange(scores.shape[0])[:, None]
    khot_hard = jnp.zeros_like(khot).at[rows, ind].set(1.0)
    res = khot_hard - jax.lax.stop_gradient(khot) + khot
    return res


def setup_inputs(seed: int = 0) -> dict:
    key = jax.random.key(seed)
    k1 = jax.random.fold_in(key, 1)
    k2 = jax.random.fold_in(key, 2)
    k3 = jax.random.fold_in(key, 3)
    k4 = jax.random.fold_in(key, 4)

    input_ids = jax.random.randint(k1, (B, S), 0, TOK_VOCAB, dtype=jnp.int64) if jax.config.read('jax_enable_x64') else jax.random.randint(k1, (B, S), 0, TOK_VOCAB).astype(jnp.int32)
    attention_mask = jnp.ones((B, S), dtype=input_ids.dtype)

    emb_table = jax.random.normal(k2, (TOK_VOCAB, D), dtype=jnp.float32) * 0.02
    W_cls = jax.random.normal(k3, (D, V), dtype=jnp.float32) * 0.02
    b_cls = jnp.zeros((V,), dtype=jnp.float32)

    u = jax.random.uniform(k4, (B, V), dtype=jnp.float32, minval=1e-10, maxval=1.0)
    gumbel_noise = -jnp.log(-jnp.log(u))

    return {
        'input_ids': input_ids,
        'attention_mask': attention_mask,
        'emb_table': emb_table,
        'W_cls': W_cls,
        'b_cls': b_cls,
        'gumbel_noise': gumbel_noise,
    }


def reference(input_ids, attention_mask, emb_table, W_cls, b_cls, gumbel_noise):
    logits = encoder_logits(input_ids, attention_mask, emb_table, W_cls, b_cls)  # [B, V]
    values = jax.nn.sigmoid(jnp.max(logits, axis=1))                             # [B]
    all_logprobs = jax.nn.log_softmax(logits, axis=-1)                           # [B, V]
    actions = subset_operator(logits, gumbel_noise)                              # [B, V]
    logprobs = all_logprobs * actions                                            # [B, V]
    return (values, logprobs, actions)

if __name__ == "__main__":
    import jax
    _d = setup_inputs()
    print(jax.jit(kernel)(*tuple(_d.values())))

</pallas_src>

<mosaic_0001>
#map = affine_map<(d0, d1) -> (0, 0)>
module attributes {stable_mosaic.version = 14 : i64} {
  func.func @_sc_hist_body(%arg0: i32, %arg1: i32, %arg2: memref<8x2048xi32, #tpu.memory_space<hbm>>, %arg3: memref<8x32000xf32, #tpu.memory_space<hbm>>, %arg4: memref<2048xi32, #tpu.memory_space<vmem>>, %arg5: memref<32000xf32, #tpu.memory_space<vmem>>, %arg6: memref<!tpu.dma_semaphore, #tpu.memory_space<semaphore_mem>>) attributes {dimension_semantics = [#tpu.dimension_semantics<core_parallel>, #tpu.dimension_semantics<subcore_parallel>], iteration_bounds = array<i64: 2, 16>, scalar_prefetch = 0 : i64, scratch_operands = 3 : i64, tpu.core_type = #tpu.core_type<sc_vector_subcore>, window_params = [{transform_indices = #map}, {transform_indices = #map}]} {
    %mul3A = arith.constant 2 : i32
    %mul3A_0 = arith.muli %arg1, %mul3A : i32
    %add3A = arith.addi %mul3A_0, %arg0 : i32
    %lt3A = arith.constant 8 : i32
    %lt3A_1 = arith.cmpi slt, %add3A, %lt3A : i32
    %convert_element_type3A = arith.extui %lt3A_1 : i1 to i32
    %cond3A = arith.constant 0 : i32
    %cond3A_2 = arith.cmpi ne, %convert_element_type3A, %cond3A : i32
    scf.if %cond3A_2 {
      %dma_start3A = arith.constant 0 : i32
      %dma_start3A_3 = tpu.memref_slice %arg2[%add3A, %dma_start3A] : memref<8x2048xi32, #tpu.memory_space<hbm>> -> memref<1x2048xi32, #tpu.memory_space<hbm>>
      %dma_start3A_4 = tpu.memref_squeeze %dma_start3A_3 : memref<1x2048xi32, #tpu.memory_space<hbm>> -> memref<2048xi32, #tpu.memory_space<hbm>>
      %dma_start3A_5 = arith.constant 0 : i32
      %dma_start3A_6 = tpu.memref_slice %arg2[%add3A, %dma_start3A_5] : memref<8x2048xi32, #tpu.memory_space<hbm>> -> memref<1x2048xi32, #tpu.memory_space<hbm>>
      %dma_start3A_7 = tpu.memref_squeeze %dma_start3A_6 : memref<1x2048xi32, #tpu.memory_space<hbm>> -> memref<2048xi32, #tpu.memory_space<hbm>>
      tpu.enqueue_dma source(%dma_start3A_7 : memref<2048xi32, #tpu.memory_space<hbm>>) target(%arg4 : memref<2048xi32, #tpu.memory_space<vmem>>) target_semaphore(%arg6 : memref<!tpu.dma_semaphore, #tpu.memory_space<semaphore_mem>>)
      %broadcast_in_dim3A = arith.constant 0.000000e+00 : f32
      %broadcast_in_dim3A_8 = vector.broadcast %broadcast_in_dim3A : f32 to vector<16xf32>
      %scan3A = arith.constant 0 : i32
      %scan3A_9 = arith.constant 0 : i32
      %scan3A_10 = arith.constant 125 : i32
      %scan3A_11 = arith.addi %scan3A_9, %scan3A_10 : i32
      %scan3A_12 = arith.constant 1 : i32
      %scan3A_13 = scf.for %scan3A_29 = %scan3A_9 to %scan3A_11 step %scan3A_12 iter_args(%scan3A_30 = %scan3A) -> (i32)  : i32 {
        %mul3A_31 = arith.constant 256 : i32
        %mul3A_32 = arith.muli %scan3A_29, %mul3A_31 : i32
        %add3A_33 = arith.constant 0 : i32
        %add3A_34 = arith.addi %mul3A_32, %add3A_33 : i32
        %swap3A = arith.index_cast %add3A_34 : i32 to index
        %swap3A_35 = tpu.vector_load %arg5[%swap3A] {strides = array<i32>} : memref<32000xf32, #tpu.memory_space<vmem>>, vector<16xf32>,
        tpu.vector_store %arg5[%swap3A], %broadcast_in_dim3A_8 {strides = array<i32>} : memref<32000xf32, #tpu.memory_space<vmem>>, vector<16xf32>,
        %add3A_36 = arith.constant 16 : i32
        %add3A_37 = arith.addi %mul3A_32, %add3A_36 : i32
        %swap3A_38 = arith.index_cast %add3A_37 : i32 to index
        %swap3A_39 = tpu.vector_load %arg5[%swap3A_38] {strides = array<i32>} : memref<32000xf32, #tpu.memory_space<vmem>>, vector<16xf32>,
        tpu.vector_store %arg5[%swap3A_38], %broadcast_in_dim3A_8 {strides = array<i32>} : memref<32000xf32, #tpu.memory_space<vmem>>, vector<16xf32>,
        %add3A_40 = arith.constant 32 : i32
        %add3A_41 = arith.addi %mul3A_32, %add3A_40 : i32
        %swap3A_42 = arith.index_cast %add3A_41 : i32 to index
        %swap3A_43 = tpu.vector_load %arg5[%swap3A_42] {strides = array<i32>} : memref<32000xf32, #tpu.memory_space<vmem>>, vector<16xf32>,
        tpu.vector_store %arg5[%swap3A_42], %broadcast_in_dim3A_8 {strides = array<i32>} : memref<32000xf32, #tpu.memory_space<vmem>>, vector<16xf32>,
        %add3A_44 = arith.constant 48 : i32
        %add3A_45 = arith.addi %mul3A_32, %add3A_44 : i32
        %swap3A_46 = arith.index_cast %add3A_45 : i32 to index
        %swap3A_47 = tpu.vector_load %arg5[%swap3A_46] {strides = array<i32>} : memref<32000xf32, #tpu.memory_space<vmem>>, vector<16xf32>,
        tpu.vector_store %arg5[%swap3A_46], %broadcast_in_dim3A_8 {strides = array<i32>} : memref<32000xf32, #tpu.memory_space<vmem>>, vector<16xf32>,
        %add3A_48 = arith.constant 64 : i32
        %add3A_49 = arith.addi %mul3A_32, %add3A_48 : i32
        %swap3A_50 = arith.index_cast %add3A_49 : i32 to index
        %swap3A_51 = tpu.vector_load %arg5[%swap3A_50] {strides = array<i32>} : memref<32000xf32, #tpu.memory_space<vmem>>, vector<16xf32>,
        tpu.vector_store %arg5[%swap3A_50], %broadcast_in_dim3A_8 {strides = array<i32>} : memref<32000xf32, #tpu.memory_space<vmem>>, vector<16xf32>,
        %add3A_52 = arith.constant 80 : i32
        %add3A_53 = arith.addi %mul3A_32, %add3A_52 : i32
        %swap3A_54 = arith.index_cast %add3A_53 : i32 to index
        %swap3A_55 = tpu.vector_load %arg5[%swap3A_54] {strides = array<i32>} : memref<32000xf32, #tpu.memory_space<vmem>>, vector<16xf32>,
        tpu.vector_store %arg5[%swap3A_54], %broadcast_in_dim3A_8 {strides = array<i32>} : memref<32000xf32, #tpu.memory_space<vmem>>, vector<16xf32>,
        %add3A_56 = arith.constant 96 : i32
        %add3A_57 = arith.addi %mul3A_32, %add3A_56 : i32
        %swap3A_58 = arith.index_cast %add3A_57 : i32 to index
        %swap3A_59 = tpu.vector_load %arg5[%swap3A_58] {strides = array<i32>} : memref<32000xf32, #tpu.memory_space<vmem>>, vector<16xf32>,
        tpu.vector_store %arg5[%swap3A_58], %broadcast_in_dim3A_8 {strides = array<i32>} : memref<32000xf32, #tpu.memory_space<vmem>>, vector<16xf32>,
        %add3A_60 = arith.constant 112 : i32
        %add3A_61 = arith.addi %mul3A_32, %add3A_60 : i32
        %swap3A_62 = arith.index_cast %add3A_61 : i32 to index
        %swap3A_63 = tpu.vector_load %arg5[%swap3A_62] {strides = array<i32>} : memref<32000xf32, #tpu.memory_space<vmem>>, vector<16xf32>,
        tpu.vector_store %arg5[%swap3A_62], %broadcast_in_dim3A_8 {strides = array<i32>} : memref<32000xf32, #tpu.memory_space<vmem>>, vector<16xf32>,
        %add3A_64 = arith.constant 128 : i32
        %add3A_65 = arith.addi %mul3A_32, %add3A_64 : i32
        %swap3A_66 = arith.index_cast %add3A_65 : i32 to index
        %swap3A_67 = tpu.vector_load %arg5[%swap3A_66] {strides = array<i32>} : memref<32000xf32, #tpu.memory_space<vmem>>, vector<16xf32>,
        tpu.vector_store %arg5[%swap3A_66], %broadcast_in_dim3A_8 {strides = array<i32>} : memref<32000xf32, #tpu.memory_space<vmem>>, vector<16xf32>,
        %add3A_68 = arith.constant 144 : i32
        %add3A_69 = arith.addi %mul3A_32, %add3A_68 : i32
        %swap3A_70 = arith.index_cast %add3A_69 : i32 to index
        %swap3A_71 = tpu.vector_load %arg5[%swap3A_70] {strides = array<i32>} : memref<32000xf32, #tpu.memory_space<vmem>>, vector<16xf32>,
        tpu.vector_store %arg5[%swap3A_70], %broadcast_in_dim3A_8 {strides = array<i32>} : memref<32000xf32, #tpu.memory_space<vmem>>, vector<16xf32>,
        %add3A_72 = arith.constant 160 : i32
        %add3A_73 = arith.addi %mul3A_32, %add3A_72 : i32
        %swap3A_74 = arith.index_cast %add3A_73 : i32 to index
        %swap3A_75 = tpu.vector_load %arg5[%swap3A_74] {strides = array<i32>} : memref<32000xf32, #tpu.memory_space<vmem>>, vector<16xf32>,
        tpu.vector_store %arg5[%swap3A_74], %broadcast_in_dim3A_8 {strides = array<i32>} : memref<32000xf32, #tpu.memory_space<vmem>>, vector<16xf32>,
        %add3A_76 = arith.constant 176 : i32
        %add3A_77 = arith.addi %mul3A_32, %add3A_76 : i32
        %swap3A_78 = arith.index_cast %add3A_77 : i32 to index
        %swap3A_79 = tpu.vector_load %arg5[%swap3A_78] {strides = array<i32>} : memref<32000xf32, #tpu.memory_space<vmem>>, vector<16xf32>,
        tpu.vector_store %arg5[%swap3A_78], %broadcast_in_dim3A_8 {strides = array<i32>} : memref<32000xf32, #tpu.memory_space<vmem>>, vector<16xf32>,
        %add3A_80 = arith.constant 192 : i32
        %add3A_81 = arith.addi %mul3A_32, %add3A_80 : i32
        %swap3A_82 = arith.index_cast %add3A_81 : i32 to index
        %swap3A_83 = tpu.vector_load %arg5[%swap3A_82] {strides = array<i32>} : memref<32000xf32, #tpu.memory_space<vmem>>, vector<16xf32>,
        tpu.vector_store %arg5[%swap3A_82], %broadcast_in_dim3A_8 {strides = array<i32>} : memref<32000xf32, #tpu.memory_space<vmem>>, vector<16xf32>,
        %add3A_84 = arith.constant 208 : i32
        %add3A_85 = arith.addi %mul3A_32, %add3A_84 : i32
        %swap3A_86 = arith.index_cast %add3A_85 : i32 to index
        %swap3A_87 = tpu.vector_load %arg5[%swap3A_86] {strides = array<i32>} : memref<32000xf32, #tpu.memory_space<vmem>>, vector<16xf32>,
        tpu.vector_store %arg5[%swap3A_86], %broadcast_in_dim3A_8 {strides = array<i32>} : memref<32000xf32, #tpu.memory_space<vmem>>, vector<16xf32>,
        %add3A_88 = arith.constant 224 : i32
        %add3A_89 = arith.addi %mul3A_32, %add3A_88 : i32
        %swap3A_90 = arith.index_cast %add3A_89 : i32 to index
        %swap3A_91 = tpu.vector_load %arg5[%swap3A_90] {strides = array<i32>} : memref<32000xf32, #tpu.memory_space<vmem>>, vector<16xf32>,
        tpu.vector_store %arg5[%swap3A_90], %broadcast_in_dim3A_8 {strides = array<i32>} : memref<32000xf32, #tpu.memory_space<vmem>>, vector<16xf32>,
        %add3A_92 = arith.constant 240 : i32
        %add3A_93 = arith.addi %mul3A_32, %add3A_92 : i32
        %swap3A_94 = arith.index_cast %add3A_93 : i32 to index
        %swap3A_95 = tpu.vector_load %arg5[%swap3A_94] {strides = array<i32>} : memref<32000xf32, #tpu.memory_space<vmem>>, vector<16xf32>,
        tpu.vector_store %arg5[%swap3A_94], %broadcast_in_dim3A_8 {strides = array<i32>} : memref<32000xf32, #tpu.memory_space<vmem>>, vector<16xf32>,
        %scan3A_96 = arith.constant 0 : i32
        scf.yield %scan3A_96 : i32
      }
      %scan3A_14 = arith.constant 125 : i32
      %dma_wait3A = arith.constant 0 : i32
      %dma_wait3A_15 = tpu.memref_slice %arg2[%add3A, %dma_wait3A] : memref<8x2048xi32, #tpu.memory_space<hbm>> -> memref<1x2048xi32, #tpu.memory_space<hbm>>
      %dma_wait3A_16 = tpu.memref_squeeze %dma_wait3A_15 : memref<1x2048xi32, #tpu.memory_space<hbm>> -> memref<2048xi32, #tpu.memory_space<hbm>>
      %dma_wait3A_17 = arith.constant 0 : i32
      %dma_wait3A_18 = tpu.memref_slice %arg2[%add3A, %dma_wait3A_17] : memref<8x2048xi32, #tpu.memory_space<hbm>> -> memref<1x2048xi32, #tpu.memory_space<hbm>>
      %dma_wait3A_19 = tpu.memref_squeeze %dma_wait3A_18 : memref<1x2048xi32, #tpu.memory_space<hbm>> -> memref<2048xi32, #tpu.memory_space<hbm>>
      tpu.wait_dma2 semaphore(%arg6 : memref<!tpu.dma_semaphore, #tpu.memory_space<semaphore_mem>>) src(%dma_wait3A_19 : memref<2048xi32, #tpu.memory_space<hbm>>) dst(%arg4 : memref<2048xi32, #tpu.memory_space<vmem>>)
      %broadcast_in_dim3A_20 = arith.constant 1.000000e+00 : f32
      %broadcast_in_dim3A_21 = vector.broadcast %broadcast_in_dim3A_20 : f32 to vector<16xf32>
      %scan3A_22 = arith.constant 0 : i32
      %scan3A_23 = arith.constant 0 : i32
      %scan3A_24 = arith.constant 32 : i32
      %scan3A_25 = arith.addi %scan3A_23, %scan3A_24 : i32
      %scan3A_26 = arith.constant 1 : i32
      %scan3A_27 = scf.for %scan3A_29 = %scan3A_23 to %scan3A_25 step %scan3A_26 iter_args(%scan3A_30 = %scan3A_22) -> (i32)  : i32 {
        %mul3A_31 = arith.constant 64 : i32
        %mul3A_32 = arith.muli %scan3A_29, %mul3A_31 : i32
        %add3A_33 = arith.constant 0 : i32
        %add3A_34 = arith.addi %mul3A_32, %add3A_33 : i32
        %get3A = arith.index_cast %add3A_34 : i32 to index
        %get3A_35 = tpu.vector_load %arg4[%get3A] {strides = array<i32>} : memref<2048xi32, #tpu.memory_space<vmem>>, vector<16xi32>,
        tpu.vector_store_idx %arg5[%get3A_35], %broadcast_in_dim3A_21 {add = true} : memref<32000xf32, #tpu.memory_space<vmem>>[vector<16xi32>], vector<16xf32>,
        %add3A_36 = arith.constant 16 : i32
        %add3A_37 = arith.addi %mul3A_32, %add3A_36 : i32
        %get3A_38 = arith.index_cast %add3A_37 : i32 to index
        %get3A_39 = tpu.vector_load %arg4[%get3A_38] {strides = array<i32>} : memref<2048xi32, #tpu.memory_space<vmem>>, vector<16xi32>,
        tpu.vector_store_idx %arg5[%get3A_39], %broadcast_in_dim3A_21 {add = true} : memref<32000xf32, #tpu.memory_space<vmem>>[vector<16xi32>], vector<16xf32>,
        %add3A_40 = arith.constant 32 : i32
        %add3A_41 = arith.addi %mul3A_32, %add3A_40 : i32
        %get3A_42 = arith.index_cast %add3A_41 : i32 to index
        %get3A_43 = tpu.vector_load %arg4[%get3A_42] {strides = array<i32>} : memref<2048xi32, #tpu.memory_space<vmem>>, vector<16xi32>,
        tpu.vector_store_idx %arg5[%get3A_43], %broadcast_in_dim3A_21 {add = true} : memref<32000xf32, #tpu.memory_space<vmem>>[vector<16xi32>], vector<16xf32>,
        %add3A_44 = arith.constant 48 : i32
        %add3A_45 = arith.addi %mul3A_32, %add3A_44 : i32
        %get3A_46 = arith.index_cast %add3A_45 : i32 to index
        %get3A_47 = tpu.vector_load %arg4[%get3A_46] {strides = array<i32>} : memref<2048xi32, #tpu.memory_space<vmem>>, vector<16xi32>,
        tpu.vector_store_idx %arg5[%get3A_47], %broadcast_in_dim3A_21 {add = true} : memref<32000xf32, #tpu.memory_space<vmem>>[vector<16xi32>], vector<16xf32>,
        %scan3A_48 = arith.constant 0 : i32
        scf.yield %scan3A_48 : i32
      }
      %scan3A_28 = arith.constant 32 : i32
      "tpu.region"() ({
        %run_scoped3A = tpu.sem_alloc : memref<!tpu.dma_semaphore, #tpu.memory_space<semaphore_mem>>
        %dma_start3A_29 = arith.constant 0 : i32
        %dma_start3A_30 = tpu.memref_slice %arg3[%add3A, %dma_start3A_29] : memref<8x32000xf32, #tpu.memory_space<hbm>> -> memref<1x32000xf32, #tpu.memory_space<hbm>>
        %dma_start3A_31 = tpu.memref_squeeze %dma_start3A_30 : memref<1x32000xf32, #tpu.memory_space<hbm>> -> memref<32000xf32, #tpu.memory_space<hbm>>
        %dma_start3A_32 = arith.constant 0 : i32
        %dma_start3A_33 = tpu.memref_slice %arg3[%add3A, %dma_start3A_32] : memref<8x32000xf32, #tpu.memory_space<hbm>> -> memref<1x32000xf32, #tpu.memory_space<hbm>>
        %dma_start3A_34 = tpu.memref_squeeze %dma_start3A_33 : memref<1x32000xf32, #tpu.memory_space<hbm>> -> memref<32000xf32, #tpu.memory_space<hbm>>
        tpu.enqueue_dma source(%arg5 : memref<32000xf32, #tpu.memory_space<vmem>>) target(%dma_start3A_34 : memref<32000xf32, #tpu.memory_space<hbm>>) target_semaphore(%run_scoped3A : memref<!tpu.dma_semaphore, #tpu.memory_space<semaphore_mem>>)
        %dma_wait3A_35 = arith.constant 0 : i32
        %dma_wait3A_36 = tpu.memref_slice %arg3[%add3A, %dma_wait3A_35] : memref<8x32000xf32, #tpu.memory_space<hbm>> -> memref<1x32000xf32, #tpu.memory_space<hbm>>
        %dma_wait3A_37 = tpu.memref_squeeze %dma_wait3A_36 : memref<1x32000xf32, #tpu.memory_space<hbm>> -> memref<32000xf32, #tpu.memory_space<hbm>>
        %dma_wait3A_38 = arith.constant 0 : i32
        %dma_wait3A_39 = tpu.memref_slice %arg3[%add3A, %dma_wait3A_38] : memref<8x32000xf32, #tpu.memory_space<hbm>> -> memref<1x32000xf32, #tpu.memory_space<hbm>>
        %dma_wait3A_40 = tpu.memref_squeeze %dma_wait3A_39 : memref<1x32000xf32, #tpu.memory_space<hbm>> -> memref<32000xf32, #tpu.memory_space<hbm>>
        tpu.wait_dma2 semaphore(%run_scoped3A : memref<!tpu.dma_semaphore, #tpu.memory_space<semaphore_mem>>) src(%arg5 : memref<32000xf32, #tpu.memory_space<vmem>>) dst(%dma_wait3A_40 : memref<32000xf32, #tpu.memory_space<hbm>>)
        tpu.yield
      }) : () -> ()
    } else {
    }
    return
  }
}

module attributes {stable_mosaic.version = 14 : i64} {
  func.func @_tc_head_body(%arg0: memref<8x32000xf32, #tpu.memory_space<vmem>>, %arg1: memref<64x32000xbf16, #tpu.memory_space<vmem>>, %arg2: memref<8x2048xi32, #tpu.memory_space<vmem>>, %arg3: memref<64x2048xf32, #tpu.memory_space<vmem>>, %arg4: memref<1x2048xf32, #tpu.memory_space<vmem>>, %arg5: memref<8x2048xf32, #tpu.memory_space<vmem>>, %arg6: memref<1x8xf32, #tpu.memory_space<vmem>>, %arg7: memref<8x2048xf32, #tpu.memory_space<vmem>>, %arg8: memref<8x2048xf32, #tpu.memory_space<vmem>>) attributes {dimension_semantics = [], scalar_prefetch = 0 : i64, scratch_operands = 0 : i64, tpu.core_type = #tpu.core_type<tc>} {
    %get3A = arith.constant 0 : index
    %get3A_0 = arith.constant 0 : index
    %get3A_1 = vector.load %arg0[%get3A, %get3A_0] : memref<8x32000xf32, #tpu.memory_space<vmem>>, vector<8x32000xf32>
    %convert_element_type3A = arith.truncf %get3A_1 : vector<8x32000xf32> to vector<8x32000xbf16>
    %get3A_2 = arith.constant 0 : index
    %get3A_3 = arith.constant 0 : index
    %get3A_4 = vector.load %arg1[%get3A_2, %get3A_3] : memref<64x32000xbf16, #tpu.memory_space<vmem>>, vector<64x32000xbf16>
    %dot_general3A = arith.constant dense<0.000000e+00> : vector<8x64xf32>
    %dot_general3A_5 = tpu.matmul %convert_element_type3A, %get3A_4, %dot_general3A {dimension_numbers = #tpu.dot_dimension_numbers<[1], [1], [0], [0], [0, 0, 1, 0], [], []>, transpose_lhs_hint = false} : vector<8x32000xbf16>, vector<64x32000xbf16>, vector<8x64xf32> -> vector<8x64xf32>
    %get3A_6 = arith.constant 0 : index
    %get3A_7 = arith.constant 0 : index
    %get3A_8 = vector.load %arg2[%get3A_6, %get3A_7] : memref<8x2048xi32, #tpu.memory_space<vmem>>, vector<8x2048xi32>
    %convert_element_type3A_9 = arith.sitofp %get3A_8 : vector<8x2048xi32> to vector<8x2048xf32>
    %reduce_sum3A = arith.constant dense<0.000000e+00> : vector<8xf32>
    %reduce_sum3A_10 = vector.multi_reduction <add>, %convert_element_type3A_9, %reduce_sum3A [1] : vector<8x2048xf32> to vector<8xf32>
    %broadcast_in_dim3A = vector.shape_cast %reduce_sum3A_10 : vector<8xf32> to vector<8x1xf32>
    %max3A = arith.constant 9.99999997E-7 : f32
    %max3A_11 = vector.broadcast %max3A : f32 to vector<8x1xf32>
    %max3A_12 = arith.maximumf %broadcast_in_dim3A, %max3A_11 : vector<8x1xf32>
    %div3A = vector.broadcast %max3A_12 : vector<8x1xf32> to vector<8x64xf32>
    %div3A_13 = arith.divf %dot_general3A_5, %div3A : vector<8x64xf32>
    %get3A_14 = arith.constant 0 : index
    %get3A_15 = arith.constant 0 : index
    %get3A_16 = vector.load %arg3[%get3A_14, %get3A_15] : memref<64x2048xf32, #tpu.memory_space<vmem>>, vector<64x2048xf32>
    %dot_general3A_17 = arith.constant dense<0.000000e+00> : vector<8x2048xf32>
    %dot_general3A_18 = tpu.matmul %div3A_13, %get3A_16, %dot_general3A_17 {dimension_numbers = #tpu.dot_dimension_numbers<[1], [0], [0], [1], [0, 0, 1, 1], [], []>, precision = #tpu.contract_precision<fp32>, transpose_lhs_hint = false} : vector<8x64xf32>, vector<64x2048xf32>, vector<8x2048xf32> -> vector<8x2048xf32>
    %get3A_19 = arith.constant 0 : index
    %get3A_20 = arith.constant 0 : index
    %get3A_21 = vector.load %arg4[%get3A_19, %get3A_20] : memref<1x2048xf32, #tpu.memory_space<vmem>>, vector<1x2048xf32>
    %add3A = vector.broadcast %get3A_21 : vector<1x2048xf32> to vector<8x2048xf32>
    %add3A_22 = arith.addf %dot_general3A_18, %add3A : vector<8x2048xf32>
    %reduce_max3A = arith.constant dense<0xFF800000> : vector<8xf32>
    %reduce_max3A_23 = vector.multi_reduction <maximumf>, %add3A_22, %reduce_max3A [1] : vector<8x2048xf32> to vector<8xf32>
    %broadcast_in_dim3A_24 = vector.shape_cast %reduce_max3A_23 : vector<8xf32> to vector<8x1xf32>
    %logistic3A = arith.negf %broadcast_in_dim3A_24 : vector<8x1xf32>
    %logistic3A_25 = math.exp %logistic3A : vector<8x1xf32>
    %logistic3A_26 = arith.constant 1.000000e+00 : f32
    %logistic3A_27 = vector.broadcast %logistic3A_26 : f32 to vector<8x1xf32>
    %logistic3A_28 = arith.addf %logistic3A_27, %logistic3A_25 : vector<8x1xf32>
    %logistic3A_29 = arith.divf %logistic3A_27, %logistic3A_28 : vector<8x1xf32>
    %transpose3A = tpu.transpose %logistic3A_29, [1, 0] : vector<8x1xf32> -> vector<1x8xf32>
    %swap3A = arith.constant 0 : index
    %swap3A_30 = arith.constant 0 : index
    %swap3A_31 = vector.load %arg6[%swap3A, %swap3A_30] : memref<1x8xf32, #tpu.memory_space<vmem>>, vector<1x8xf32>
    tpu.vector_store %arg6[%swap3A, %swap3A_30], %transpose3A {strides = array<i32>} : memref<1x8xf32, #tpu.memory_space<vmem>>, vector<1x8xf32>,
    %sub3A = vector.broadcast %broadcast_in_dim3A_24 : vector<8x1xf32> to vector<8x2048xf32>
    %sub3A_32 = arith.subf %add3A_22, %sub3A : vector<8x2048xf32>
    %exp3A = math.exp %sub3A_32 : vector<8x2048xf32>
    %reduce_sum3A_33 = arith.constant dense<0.000000e+00> : vector<8xf32>
    %reduce_sum3A_34 = vector.multi_reduction <add>, %exp3A, %reduce_sum3A_33 [1] : vector<8x2048xf32> to vector<8xf32>
    %broadcast_in_dim3A_35 = vector.shape_cast %reduce_sum3A_34 : vector<8xf32> to vector<8x1xf32>
    %log3A = math.log %broadcast_in_dim3A_35 : vector<8x1xf32>
    %sub3A_36 = vector.broadcast %log3A : vector<8x1xf32> to vector<8x2048xf32>
    %sub3A_37 = arith.subf %sub3A_32, %sub3A_36 : vector<8x2048xf32>
    %get3A_38 = arith.constant 0 : index
    %get3A_39 = arith.constant 0 : index
    %get3A_40 = vector.load %arg5[%get3A_38, %get3A_39] : memref<8x2048xf32, #tpu.memory_space<vmem>>, vector<8x2048xf32>
    %add3A_41 = arith.addf %add3A_22, %get3A_40 : vector<8x2048xf32>
    %bitcast_convert_type3A = tpu.bitcast %add3A_41 : vector<8x2048xf32> -> vector<8x2048xi32>
    %ge3A = arith.constant 0 : i32
    %ge3A_42 = vector.broadcast %ge3A : i32 to vector<8x2048xi32>
    %ge3A_43 = arith.cmpi sge, %bitcast_convert_type3A, %ge3A_42 : vector<8x2048xi32>
    %xor3A = arith.constant 2147483647 : i32
    %xor3A_44 = vector.broadcast %xor3A : i32 to vector<8x2048xi32>
    %xor3A_45 = arith.xori %bitcast_convert_type3A, %xor3A_44 : vector<8x2048xi32>
    %select_n3A = arith.select %ge3A_43, %bitcast_convert_type3A, %xor3A_45 : vector<8x2048xi1>, vector<8x2048xi32>
    %broadcast_in_dim3A_46 = arith.constant -2147483648 : i32
    %broadcast_in_dim3A_47 = vector.broadcast %broadcast_in_dim3A_46 : i32 to vector<8x1xi32>
    %scan3A = arith.constant 1.000000e+03 : f32
    %scan3A_48 = arith.constant 0 : i32
    %scan3A_49 = arith.constant 8 : i32
    %scan3A_50 = arith.addi %scan3A_48, %scan3A_49 : i32
    %scan3A_51 = arith.constant 1 : i32
    %scan3A_52 = scf.for %scan3A_93 = %scan3A_48 to %scan3A_50 step %scan3A_51 iter_args(%scan3A_94 = %broadcast_in_dim3A_47) -> (vector<8x1xi32>)  : i32 {
      %mul3A_95 = arith.constant 4 : i32
      %mul3A_96 = arith.muli %mul3A_95, %scan3A_93 : i32
      %sub3A_97 = arith.constant 28 : i32
      %sub3A_98 = arith.subi %sub3A_97, %mul3A_96 : i32
      %shift_left3A = arith.constant 1 : i32
      %shift_left3A_99 = arith.shli %shift_left3A, %sub3A_98 : i32
      %broadcast_in_dim3A_100 = arith.constant 0 : i32
      %broadcast_in_dim3A_101 = vector.broadcast %broadcast_in_dim3A_100 : i32 to vector<8x1xi32>
      %mul3A_102 = arith.constant 1 : i32
      %mul3A_103 = arith.muli %mul3A_102, %shift_left3A_99 : i32
      %add3A_104 = vector.broadcast %mul3A_103 : i32 to vector<8x1xi32>
      %add3A_105 = arith.addi %scan3A_94, %add3A_104 : vector<8x1xi32>
      %ge3A_106 = vector.broadcast %add3A_105 : vector<8x1xi32> to vector<8x2048xi32>
      %ge3A_107 = arith.cmpi sge, %select_n3A, %ge3A_106 : vector<8x2048xi32>
      %convert_element_type3A_108 = arith.extui %ge3A_107 : vector<8x2048xi1> to vector<8x2048xi32>
      %convert_element_type3A_109 = arith.sitofp %convert_element_type3A_108 : vector<8x2048xi32> to vector<8x2048xf32>
      %reduce_sum3A_110 = arith.constant dense<0.000000e+00> : vector<8xf32>
      %reduce_sum3A_111 = vector.multi_reduction <add>, %convert_element_type3A_109, %reduce_sum3A_110 [1] : vector<8x2048xf32> to vector<8xf32>
      %broadcast_in_dim3A_112 = vector.shape_cast %reduce_sum3A_111 : vector<8xf32> to vector<8x1xf32>
      %ge3A_113 = vector.broadcast %scan3A : f32 to vector<8x1xf32>
      %ge3A_114 = arith.cmpf oge, %broadcast_in_dim3A_112, %ge3A_113 : vector<8x1xf32>
      %convert_element_type3A_115 = arith.extui %ge3A_114 : vector<8x1xi1> to vector<8x1xi32>
      %add3A_116 = arith.addi %broadcast_in_dim3A_101, %convert_element_type3A_115 : vector<8x1xi32>
      %mul3A_117 = arith.constant 2 : i32
      %mul3A_118 = arith.muli %mul3A_117, %shift_left3A_99 : i32
      %add3A_119 = vector.broadcast %mul3A_118 : i32 to vector<8x1xi32>
      %add3A_120 = arith.addi %scan3A_94, %add3A_119 : vector<8x1xi32>
      %ge3A_121 = vector.broadcast %add3A_120 : vector<8x1xi32> to vector<8x2048xi32>
      %ge3A_122 = arith.cmpi sge, %select_n3A, %ge3A_121 : vector<8x2048xi32>
      %convert_element_type3A_123 = arith.extui %ge3A_122 : vector<8x2048xi1> to vector<8x2048xi32>
      %convert_element_type3A_124 = arith.sitofp %convert_element_type3A_123 : vector<8x2048xi32> to vector<8x2048xf32>
      %reduce_sum3A_125 = arith.constant dense<0.000000e+00> : vector<8xf32>
      %reduce_sum3A_126 = vector.multi_reduction <add>, %convert_element_type3A_124, %reduce_sum3A_125 [1] : vector<8x2048xf32> to vector<8xf32>
      %broadcast_in_dim3A_127 = vector.shape_cast %reduce_sum3A_126 : vector<8xf32> to vector<8x1xf32>
      %ge3A_128 = vector.broadcast %scan3A : f32 to vector<8x1xf32>
      %ge3A_129 = arith.cmpf oge, %broadcast_in_dim3A_127, %ge3A_128 : vector<8x1xf32>
      %convert_element_type3A_130 = arith.extui %ge3A_129 : vector<8x1xi1> to vector<8x1xi32>
      %add3A_131 = arith.addi %add3A_116, %convert_element_type3A_130 : vector<8x1xi32>
      %mul3A_132 = arith.constant 3 : i32
      %mul3A_133 = arith.muli %mul3A_132, %shift_left3A_99 : i32
      %add3A_134 = vector.broadcast %mul3A_133 : i32 to vector<8x1xi32>
      %add3A_135 = arith.addi %scan3A_94, %add3A_134 : vector<8x1xi32>
      %ge3A_136 = vector.broadcast %add3A_135 : vector<8x1xi32> to vector<8x2048xi32>
      %ge3A_137 = arith.cmpi sge, %select_n3A, %ge3A_136 : vector<8x2048xi32>
      %convert_element_type3A_138 = arith.extui %ge3A_137 : vector<8x2048xi1> to vector<8x2048xi32>
      %convert_element_type3A_139 = arith.sitofp %convert_element_type3A_138 : vector<8x2048xi32> to vector<8x2048xf32>
      %reduce_sum3A_140 = arith.constant dense<0.000000e+00> : vector<8xf32>
      %reduce_sum3A_141 = vector.multi_reduction <add>, %convert_element_type3A_139, %reduce_sum3A_140 [1] : vector<8x2048xf32> to vector<8xf32>
      %broadcast_in_dim3A_142 = vector.shape_cast %reduce_sum3A_141 : vector<8xf32> to vector<8x1xf32>
      %ge3A_143 = vector.broadcast %scan3A : f32 to vector<8x1xf32>
      %ge3A_144 = arith.cmpf oge, %broadcast_in_dim3A_142, %ge3A_143 : vector<8x1xf32>
      %convert_element_type3A_145 = arith.extui %ge3A_144 : vector<8x1xi1> to vector<8x1xi32>
      %add3A_146 = arith.addi %add3A_131, %convert_element_type3A_145 : vector<8x1xi32>
      %mul3A_147 = arith.constant 4 : i32
      %mul3A_148 = arith.muli %mul3A_147, %shift_left3A_99 : i32
      %add3A_149 = vector.broadcast %mul3A_148 : i32 to vector<8x1xi32>
      %add3A_150 = arith.addi %scan3A_94, %add3A_149 : vector<8x1xi32>
      %ge3A_151 = vector.broadcast %add3A_150 : vector<8x1xi32> to vector<8x2048xi32>
      %ge3A_152 = arith.cmpi sge, %select_n3A, %ge3A_151 : vector<8x2048xi32>
      %convert_element_type3A_153 = arith.extui %ge3A_152 : vector<8x2048xi1> to vector<8x2048xi32>
      %convert_element_type3A_154 = arith.sitofp %convert_element_type3A_153 : vector<8x2048xi32> to vector<8x2048xf32>
      %reduce_sum3A_155 = arith.constant dense<0.000000e+00> : vector<8xf32>
      %reduce_sum3A_156 = vector.multi_reduction <add>, %convert_element_type3A_154, %reduce_sum3A_155 [1] : vector<8x2048xf32> to vector<8xf32>
      %broadcast_in_dim3A_157 = vector.shape_cast %reduce_sum3A_156 : vector<8xf32> to vector<8x1xf32>
      %ge3A_158 = vector.broadcast %scan3A : f32 to vector<8x1xf32>
      %ge3A_159 = arith.cmpf oge, %broadcast_in_dim3A_157, %ge3A_158 : vector<8x1xf32>
      %convert_element_type3A_160 = arith.extui %ge3A_159 : vector<8x1xi1> to vector<8x1xi32>
      %add3A_161 = arith.addi %add3A_146, %convert_element_type3A_160 : vector<8x1xi32>
      %mul3A_162 = arith.constant 5 : i32
      %mul3A_163 = arith.muli %mul3A_162, %shift_left3A_99 : i32
      %add3A_164 = vector.broadcast %mul3A_163 : i32 to vector<8x1xi32>
      %add3A_165 = arith.addi %scan3A_94, %add3A_164 : vector<8x1xi32>
      %ge3A_166 = vector.broadcast %add3A_165 : vector<8x1xi32> to vector<8x2048xi32>
      %ge3A_167 = arith.cmpi sge, %select_n3A, %ge3A_166 : vector<8x2048xi32>
      %convert_element_type3A_168 = arith.extui %ge3A_167 : vector<8x2048xi1> to vector<8x2048xi32>
      %convert_element_type3A_169 = arith.sitofp %convert_element_type3A_168 : vector<8x2048xi32> to vector<8x2048xf32>
      %reduce_sum3A_170 = arith.constant dense<0.000000e+00> : vector<8xf32>
      %reduce_sum3A_171 = vector.multi_reduction <add>, %convert_element_type3A_169, %reduce_sum3A_170 [1] : vector<8x2048xf32> to vector<8xf32>
      %broadcast_in_dim3A_172 = vector.shape_cast %reduce_sum3A_171 : vector<8xf32> to vector<8x1xf32>
      %ge3A_173 = vector.broadcast %scan3A : f32 to vector<8x1xf32>
      %ge3A_174 = arith.cmpf oge, %broadcast_in_dim3A_172, %ge3A_173 : vector<8x1xf32>
      %convert_element_type3A_175 = arith.extui %ge3A_174 : vector<8x1xi1> to vector<8x1xi32>
      %add3A_176 = arith.addi %add3A_161, %convert_element_type3A_175 : vector<8x1xi32>
      %mul3A_177 = arith.constant 6 : i32
      %mul3A_178 = arith.muli %mul3A_177, %shift_left3A_99 : i32
      %add3A_179 = vector.broadcast %mul3A_178 : i32 to vector<8x1xi32>
      %add3A_180 = arith.addi %scan3A_94, %add3A_179 : vector<8x1xi32>
      %ge3A_181 = vector.broadcast %add3A_180 : vector<8x1xi32> to vector<8x2048xi32>
      %ge3A_182 = arith.cmpi sge, %select_n3A, %ge3A_181 : vector<8x2048xi32>
      %convert_element_type3A_183 = arith.extui %ge3A_182 : vector<8x2048xi1> to vector<8x2048xi32>
      %convert_element_type3A_184 = arith.sitofp %convert_element_type3A_183 : vector<8x2048xi32> to vector<8x2048xf32>
      %reduce_sum3A_185 = arith.constant dense<0.000000e+00> : vector<8xf32>
      %reduce_sum3A_186 = vector.multi_reduction <add>, %convert_element_type3A_184, %reduce_sum3A_185 [1] : vector<8x2048xf32> to vector<8xf32>
      %broadcast_in_dim3A_187 = vector.shape_cast %reduce_sum3A_186 : vector<8xf32> to vector<8x1xf32>
      %ge3A_188 = vector.broadcast %scan3A : f32 to vector<8x1xf32>
      %ge3A_189 = arith.cmpf oge, %broadcast_in_dim3A_187, %ge3A_188 : vector<8x1xf32>
      %convert_element_type3A_190 = arith.extui %ge3A_189 : vector<8x1xi1> to vector<8x1xi32>
      %add3A_191 = arith.addi %add3A_176, %convert_element_type3A_190 : vector<8x1xi32>
      %mul3A_192 = arith.constant 7 : i32
      %mul3A_193 = arith.muli %mul3A_192, %shift_left3A_99 : i32
      %add3A_194 = vector.broadcast %mul3A_193 : i32 to vector<8x1xi32>
      %add3A_195 = arith.addi %scan3A_94, %add3A_194 : vector<8x1xi32>
      %ge3A_196 = vector.broadcast %add3A_195 : vector<8x1xi32> to vector<8x2048xi32>
      %ge3A_197 = arith.cmpi sge, %select_n3A, %ge3A_196 : vector<8x2048xi32>
      %convert_element_type3A_198 = arith.extui %ge3A_197 : vector<8x2048xi1> to vector<8x2048xi32>
      %convert_element_type3A_199 = arith.sitofp %convert_element_type3A_198 : vector<8x2048xi32> to vector<8x2048xf32>
      %reduce_sum3A_200 = arith.constant dense<0.000000e+00> : vector<8xf32>
      %reduce_sum3A_201 = vector.multi_reduction <add>, %convert_element_type3A_199, %reduce_sum3A_200 [1] : vector<8x2048xf32> to vector<8xf32>
      %broadcast_in_dim3A_202 = vector.shape_cast %reduce_sum3A_201 : vector<8xf32> to vector<8x1xf32>
      %ge3A_203 = vector.broadcast %scan3A : f32 to vector<8x1xf32>
      %ge3A_204 = arith.cmpf oge, %broadcast_in_dim3A_202, %ge3A_203 : vector<8x1xf32>
      %convert_element_type3A_205 = arith.extui %ge3A_204 : vector<8x1xi1> to vector<8x1xi32>
      %add3A_206 = arith.addi %add3A_191, %convert_element_type3A_205 : vector<8x1xi32>
      %mul3A_207 = arith.constant 8 : i32
      %mul3A_208 = arith.muli %mul3A_207, %shift_left3A_99 : i32
      %add3A_209 = vector.broadcast %mul3A_208 : i32 to vector<8x1xi32>
      %add3A_210 = arith.addi %scan3A_94, %add3A_209 : vector<8x1xi32>
      %ge3A_211 = vector.broadcast %add3A_210 : vector<8x1xi32> to vector<8x2048xi32>
      %ge3A_212 = arith.cmpi sge, %select_n3A, %ge3A_211 : vector<8x2048xi32>
      %convert_element_type3A_213 = arith.extui %ge3A_212 : vector<8x2048xi1> to vector<8x2048xi32>
      %convert_element_type3A_214 = arith.sitofp %convert_element_type3A_213 : vector<8x2048xi32> to vector<8x2048xf32>
      %reduce_sum3A_215 = arith.constant dense<0.000000e+00> : vector<8xf32>
      %reduce_sum3A_216 = vector.multi_reduction <add>, %convert_element_type3A_214, %reduce_sum3A_215 [1] : vector<8x2048xf32> to vector<8xf32>
      %broadcast_in_dim3A_217 = vector.shape_cast %reduce_sum3A_216 : vector<8xf32> to vector<8x1xf32>
      %ge3A_218 = vector.broadcast %scan3A : f32 to vector<8x1xf32>
      %ge3A_219 = arith.cmpf oge, %broadcast_in_dim3A_217, %ge3A_218 : vector<8x1xf32>
      %convert_element_type3A_220 = arith.extui %ge3A_219 : vector<8x1xi1> to vector<8x1xi32>
      %add3A_221 = arith.addi %add3A_206, %convert_element_type3A_220 : vector<8x1xi32>
      %mul3A_222 = arith.constant 9 : i32
      %mul3A_223 = arith.muli %mul3A_222, %shift_left3A_99 : i32
      %add3A_224 = vector.broadcast %mul3A_223 : i32 to vector<8x1xi32>
      %add3A_225 = arith.addi %scan3A_94, %add3A_224 : vector<8x1xi32>
      %ge3A_226 = vector.broadcast %add3A_225 : vector<8x1xi32> to vector<8x2048xi32>
      %ge3A_227 = arith.cmpi sge, %select_n3A, %ge3A_226 : vector<8x2048xi32>
      %convert_element_type3A_228 = arith.extui %ge3A_227 : vector<8x2048xi1> to vector<8x2048xi32>
      %convert_element_type3A_229 = arith.sitofp %convert_element_type3A_228 : vector<8x2048xi32> to vector<8x2048xf32>
      %reduce_sum3A_230 = arith.constant dense<0.000000e+00> : vector<8xf32>
      %reduce_sum3A_231 = vector.multi_reduction <add>, %convert_element_type3A_229, %reduce_sum3A_230 [1] : vector<8x2048xf32> to vector<8xf32>
      %broadcast_in_dim3A_232 = vector.shape_cast %reduce_sum3A_231 : vector<8xf32> to vector<8x1xf32>
      %ge3A_233 = vector.broadcast %scan3A : f32 to vector<8x1xf32>
      %ge3A_234 = arith.cmpf oge, %broadcast_in_dim3A_232, %ge3A_233 : vector<8x1xf32>
      %convert_element_type3A_235 = arith.extui %ge3A_234 : vector<8x1xi1> to vector<8x1xi32>
      %add3A_236 = arith.addi %add3A_221, %convert_element_type3A_235 : vector<8x1xi32>
      %mul3A_237 = arith.constant 10 : i32
      %mul3A_238 = arith.muli %mul3A_237, %shift_left3A_99 : i32
      %add3A_239 = vector.broadcast %mul3A_238 : i32 to vector<8x1xi32>
      %add3A_240 = arith.addi %scan3A_94, %add3A_239 : vector<8x1xi32>
      %ge3A_241 = vector.broadcast %add3A_240 : vector<8x1xi32> to vector<8x2048xi32>
      %ge3A_242 = arith.cmpi sge, %select_n3A, %ge3A_241 : vector<8x2048xi32>
      %convert_element_type3A_243 = arith.extui %ge3A_242 : vector<8x2048xi1> to vector<8x2048xi32>
      %convert_element_type3A_244 = arith.sitofp %convert_element_type3A_243 : vector<8x2048xi32> to vector<8x2048xf32>
      %reduce_sum3A_245 = arith.constant dense<0.000000e+00> : vector<8xf32>
      %reduce_sum3A_246 = vector.multi_reduction <add>, %convert_element_type3A_244, %reduce_sum3A_245 [1] : vector<8x2048xf32> to vector<8xf32>
      %broadcast_in_dim3A_247 = vector.shape_cast %reduce_sum3A_246 : vector<8xf32> to vector<8x1xf32>
      %ge3A_248 = vector.broadcast %scan3A : f32 to vector<8x1xf32>
      %ge3A_249 = arith.cmpf oge, %broadcast_in_dim3A_247, %ge3A_248 : vector<8x1xf32>
      %convert_element_type3A_250 = arith.extui %ge3A_249 : vector<8x1xi1> to vector<8x1xi32>
      %add3A_251 = arith.addi %add3A_236, %convert_element_type3A_250 : vector<8x1xi32>
      %mul3A_252 = arith.constant 11 : i32
      %mul3A_253 = arith.muli %mul3A_252, %shift_left3A_99 : i32
      %add3A_254 = vector.broadcast %mul3A_253 : i32 to vector<8x1xi32>
      %add3A_255 = arith.addi %scan3A_94, %add3A_254 : vector<8x1xi32>
      %ge3A_256 = vector.broadcast %add3A_255 : vector<8x1xi32> to vector<8x2048xi32>
      %ge3A_257 = arith.cmpi sge, %select_n3A, %ge3A_256 : vector<8x2048xi32>
      %convert_element_type3A_258 = arith.extui %ge3A_257 : vector<8x2048xi1> to vector<8x2048xi32>
      %convert_element_type3A_259 = arith.sitofp %convert_element_type3A_258 : vector<8x2048xi32> to vector<8x2048xf32>
      %reduce_sum3A_260 = arith.constant dense<0.000000e+00> : vector<8xf32>
      %reduce_sum3A_261 = vector.multi_reduction <add>, %convert_element_type3A_259, %reduce_sum3A_260 [1] : vector<8x2048xf32> to vector<8xf32>
      %broadcast_in_dim3A_262 = vector.shape_cast %reduce_sum3A_261 : vector<8xf32> to vector<8x1xf32>
      %ge3A_263 = vector.broadcast %scan3A : f32 to vector<8x1xf32>
      %ge3A_264 = arith.cmpf oge, %broadcast_in_dim3A_262, %ge3A_263 : vector<8x1xf32>
      %convert_element_type3A_265 = arith.extui %ge3A_264 : vector<8x1xi1> to vector<8x1xi32>
      %add3A_266 = arith.addi %add3A_251, %convert_element_type3A_265 : vector<8x1xi32>
      %mul3A_267 = arith.constant 12 : i32
      %mul3A_268 = arith.muli %mul3A_267, %shift_left3A_99 : i32
      %add3A_269 = vector.broadcast %mul3A_268 : i32 to vector<8x1xi32>
      %add3A_270 = arith.addi %scan3A_94, %add3A_269 : vector<8x1xi32>
      %ge3A_271 = vector.broadcast %add3A_270 : vector<8x1xi32> to vector<8x2048xi32>
      %ge3A_272 = arith.cmpi sge, %select_n3A, %ge3A_271 : vector<8x2048xi32>
      %convert_element_type3A_273 = arith.extui %ge3A_272 : vector<8x2048xi1> to vector<8x2048xi32>
      %convert_element_type3A_274 = arith.sitofp %convert_element_type3A_273 : vector<8x2048xi32> to vector<8x2048xf32>
      %reduce_sum3A_275 = arith.constant dense<0.000000e+00> : vector<8xf32>
      %reduce_sum3A_276 = vector.multi_reduction <add>, %convert_element_type3A_274, %reduce_sum3A_275 [1] : vector<8x2048xf32> to vector<8xf32>
      %broadcast_in_dim3A_277 = vector.shape_cast %reduce_sum3A_276 : vector<8xf32> to vector<8x1xf32>
      %ge3A_278 = vector.broadcast %scan3A : f32 to vector<8x1xf32>
      %ge3A_279 = arith.cmpf oge, %broadcast_in_dim3A_277, %ge3A_278 : vector<8x1xf32>
      %convert_element_type3A_280 = arith.extui %ge3A_279 : vector<8x1xi1> to vector<8x1xi32>
      %add3A_281 = arith.addi %add3A_266, %convert_element_type3A_280 : vector<8x1xi32>
      %mul3A_282 = arith.constant 13 : i32
      %mul3A_283 = arith.muli %mul3A_282, %shift_left3A_99 : i32
      %add3A_284 = vector.broadcast %mul3A_283 : i32 to vector<8x1xi32>
      %add3A_285 = arith.addi %scan3A_94, %add3A_284 : vector<8x1xi32>
      %ge3A_286 = vector.broadcast %add3A_285 : vector<8x1xi32> to vector<8x2048xi32>
      %ge3A_287 = arith.cmpi sge, %select_n3A, %ge3A_286 : vector<8x2048xi32>
      %convert_element_type3A_288 = arith.extui %ge3A_287 : vector<8x2048xi1> to vector<8x2048xi32>
      %convert_element_type3A_289 = arith.sitofp %convert_element_type3A_288 : vector<8x2048xi32> to vector<8x2048xf32>
      %reduce_sum3A_290 = arith.constant dense<0.000000e+00> : vector<8xf32>
      %reduce_sum3A_291 = vector.multi_reduction <add>, %convert_element_type3A_289, %reduce_sum3A_290 [1] : vector<8x2048xf32> to vector<8xf32>
      %broadcast_in_dim3A_292 = vector.shape_cast %reduce_sum3A_291 : vector<8xf32> to vector<8x1xf32>
      %ge3A_293 = vector.broadcast %scan3A : f32 to vector<8x1xf32>
      %ge3A_294 = arith.cmpf oge, %broadcast_in_dim3A_292, %ge3A_293 : vector<8x1xf32>
      %convert_element_type3A_295 = arith.extui %ge3A_294 : vector<8x1xi1> to vector<8x1xi32>
      %add3A_296 = arith.addi %add3A_281, %convert_element_type3A_295 : vector<8x1xi32>
      %mul3A_297 = arith.constant 14 : i32
      %mul3A_298 = arith.muli %mul3A_297, %shift_left3A_99 : i32
      %add3A_299 = vector.broadcast %mul3A_298 : i32 to vector<8x1xi32>
      %add3A_300 = arith.addi %scan3A_94, %add3A_299 : vector<8x1xi32>
      %ge3A_301 = vector.broadcast %add3A_300 : vector<8x1xi32> to vector<8x2048xi32>
      %ge3A_302 = arith.cmpi sge, %select_n3A, %ge3A_301 : vector<8x2048xi32>
      %convert_element_type3A_303 = arith.extui %ge3A_302 : vector<8x2048xi1> to vector<8x2048xi32>
      %convert_element_type3A_304 = arith.sitofp %convert_element_type3A_303 : vector<8x2048xi32> to vector<8x2048xf32>
      %reduce_sum3A_305 = arith.constant dense<0.000000e+00> : vector<8xf32>
      %reduce_sum3A_306 = vector.multi_reduction <add>, %convert_element_type3A_304, %reduce_sum3A_305 [1] : vector<8x2048xf32> to vector<8xf32>
      %broadcast_in_dim3A_307 = vector.shape_cast %reduce_sum3A_306 : vector<8xf32> to vector<8x1xf32>
      %ge3A_308 = vector.broadcast %scan3A : f32 to vector<8x1xf32>
      %ge3A_309 = arith.cmpf oge, %broadcast_in_dim3A_307, %ge3A_308 : vector<8x1xf32>
      %convert_element_type3A_310 = arith.extui %ge3A_309 : vector<8x1xi1> to vector<8x1xi32>
      %add3A_311 = arith.addi %add3A_296, %convert_element_type3A_310 : vector<8x1xi32>
      %mul3A_312 = arith.constant 15 : i32
      %mul3A_313 = arith.muli %mul3A_312, %shift_left3A_99 : i32
      %add3A_314 = vector.broadcast %mul3A_313 : i32 to vector<8x1xi32>
      %add3A_315 = arith.addi %scan3A_94, %add3A_314 : vector<8x1xi32>
      %ge3A_316 = vector.broadcast %add3A_315 : vector<8x1xi32> to vector<8x2048xi32>
      %ge3A_317 = arith.cmpi sge, %select_n3A, %ge3A_316 : vector<8x2048xi32>
      %convert_element_type3A_318 = arith.extui %ge3A_317 : vector<8x2048xi1> to vector<8x2048xi32>
      %convert_element_type3A_319 = arith.sitofp %convert_element_type3A_318 : vector<8x2048xi32> to vector<8x2048xf32>
      %reduce_sum3A_320 = arith.constant dense<0.000000e+00> : vector<8xf32>
      %reduce_sum3A_321 = vector.multi_reduction <add>, %convert_element_type3A_319, %reduce_sum3A_320 [1] : vector<8x2048xf32> to vector<8xf32>
      %broadcast_in_dim3A_322 = vector.shape_cast %reduce_sum3A_321 : vector<8xf32> to vector<8x1xf32>
      %ge3A_323 = vector.broadcast %scan3A : f32 to vector<8x1xf32>
      %ge3A_324 = arith.cmpf oge, %broadcast_in_dim3A_322, %ge3A_323 : vector<8x1xf32>
      %convert_element_type3A_325 = arith.extui %ge3A_324 : vector<8x1xi1> to vector<8x1xi32>
      %add3A_326 = arith.addi %add3A_311, %convert_element_type3A_325 : vector<8x1xi32>
      %mul3A_327 = vector.broadcast %shift_left3A_99 : i32 to vector<8x1xi32>
      %mul3A_328 = arith.muli %add3A_326, %mul3A_327 : vector<8x1xi32>
      %add3A_329 = arith.addi %scan3A_94, %mul3A_328 : vector<8x1xi32>
      scf.yield %add3A_329 : vector<8x1xi32>
    }
    %scan3A_53 = arith.constant 8 : i32
    %gt3A = vector.broadcast %scan3A_52 : vector<8x1xi32> to vector<8x2048xi32>
    %gt3A_54 = arith.cmpi sgt, %select_n3A, %gt3A : vector<8x2048xi32>
    %convert_element_type3A_55 = arith.extui %gt3A_54 : vector<8x2048xi1> to vector<8x2048xi32>
    %convert_element_type3A_56 = arith.sitofp %convert_element_type3A_55 : vector<8x2048xi32> to vector<8x2048xf32>
    %reduce_sum3A_57 = arith.constant dense<0.000000e+00> : vector<8xf32>
    %reduce_sum3A_58 = vector.multi_reduction <add>, %convert_element_type3A_56, %reduce_sum3A_57 [1] : vector<8x2048xf32> to vector<8xf32>
    %broadcast_in_dim3A_59 = vector.shape_cast %reduce_sum3A_58 : vector<8xf32> to vector<8x1xf32>
    %sub3A_60 = arith.constant 1.000000e+03 : f32
    %sub3A_61 = vector.broadcast %sub3A_60 : f32 to vector<8x1xf32>
    %sub3A_62 = arith.subf %sub3A_61, %broadcast_in_dim3A_59 : vector<8x1xf32>
    %eq3A = vector.broadcast %scan3A_52 : vector<8x1xi32> to vector<8x2048xi32>
    %eq3A_63 = arith.cmpi eq, %select_n3A, %eq3A : vector<8x2048xi32>
    %convert_element_type3A_64 = arith.extui %eq3A_63 : vector<8x2048xi1> to vector<8x2048xi32>
    %convert_element_type3A_65 = arith.sitofp %convert_element_type3A_64 : vector<8x2048xi32> to vector<8x2048xf32>
    %reduce_sum3A_66 = arith.constant dense<0.000000e+00> : vector<8xf32>
    %reduce_sum3A_67 = vector.multi_reduction <add>, %convert_element_type3A_65, %reduce_sum3A_66 [1] : vector<8x2048xf32> to vector<8xf32>
    %broadcast_in_dim3A_68 = vector.shape_cast %reduce_sum3A_67 : vector<8xf32> to vector<8x1xf32>
    %iota3A = tpu.iota {dimensions = array<i32: 1>} : vector<8x2048xi32>
    %gt3A_69 = arith.cmpf ogt, %broadcast_in_dim3A_68, %sub3A_62 : vector<8x1xf32>
    %reduce_or3A = arith.constant 1.000000e+00 : f32
    %reduce_or3A_70 = arith.constant 0.000000e+00 : f32
    %reduce_or3A_71 = vector.broadcast %reduce_or3A : f32 to vector<8x1xf32>
    %reduce_or3A_72 = vector.broadcast %reduce_or3A_70 : f32 to vector<8x1xf32>
    %reduce_or3A_73 = arith.select %gt3A_69, %reduce_or3A_71, %reduce_or3A_72 : vector<8x1xi1>, vector<8x1xf32>
    %reduce_or3A_74 = vector.shape_cast %reduce_or3A_73 : vector<8x1xf32> to vector<1x8x1xf32>
    %reduce_or3A_75 = arith.constant dense<0xFF800000> : vector<1xf32>
    %reduce_or3A_76 = vector.multi_reduction <maximumf>, %reduce_or3A_74, %reduce_or3A_75 [1, 2] : vector<1x8x1xf32> to vector<1xf32>
    %reduce_or3A_77 = vector.shape_cast %reduce_or3A_76 : vector<1xf32> to vector<1x1x1xf32>
    %reduce_or3A_78 = vector.extract %reduce_or3A_77[0, 0, 0] : f32 from vector<1x1x1xf32>
    %reduce_or3A_79 = arith.constant 0.000000e+00 : f32
    %reduce_or3A_80 = arith.cmpf ogt, %reduce_or3A_78, %reduce_or3A_79 : f32
    %convert_element_type3A_81 = arith.extui %reduce_or3A_80 : i1 to i32
    %cond3A = arith.constant 0 : i32
    %cond3A_82 = arith.cmpi ne, %convert_element_type3A_81, %cond3A : i32
    %cond3A_83 = scf.if %cond3A_82 -> (vector<8x1xi32>) {
      %broadcast_in_dim3A_93 = arith.constant 0 : i32
      %broadcast_in_dim3A_94 = vector.broadcast %broadcast_in_dim3A_93 : i32 to vector<8x1xi32>
      %scan3A_95 = arith.constant 0 : i32
      %scan3A_96 = arith.constant 3 : i32
      %scan3A_97 = arith.addi %scan3A_95, %scan3A_96 : i32
      %scan3A_98 = arith.constant 1 : i32
      %scan3A_99 = scf.for %scan3A_101 = %scan3A_95 to %scan3A_97 step %scan3A_98 iter_args(%scan3A_102 = %broadcast_in_dim3A_94) -> (vector<8x1xi32>)  : i32 {
        %mul3A_103 = arith.constant 4 : i32
        %mul3A_104 = arith.muli %mul3A_103, %scan3A_101 : i32
        %sub3A_105 = arith.constant 8 : i32
        %sub3A_106 = arith.subi %sub3A_105, %mul3A_104 : i32
        %shift_left3A = arith.constant 1 : i32
        %shift_left3A_107 = arith.shli %shift_left3A, %sub3A_106 : i32
        %broadcast_in_dim3A_108 = arith.constant 0 : i32
        %broadcast_in_dim3A_109 = vector.broadcast %broadcast_in_dim3A_108 : i32 to vector<8x1xi32>
        %mul3A_110 = arith.constant 1 : i32
        %mul3A_111 = arith.muli %mul3A_110, %shift_left3A_107 : i32
        %add3A_112 = vector.broadcast %mul3A_111 : i32 to vector<8x1xi32>
        %add3A_113 = arith.addi %scan3A_102, %add3A_112 : vector<8x1xi32>
        %lt3A = vector.broadcast %add3A_113 : vector<8x1xi32> to vector<8x2048xi32>
        %lt3A_114 = arith.cmpi slt, %iota3A, %lt3A : vector<8x2048xi32>
        %and3A_115 = arith.andi %eq3A_63, %lt3A_114 : vector<8x2048xi1>
        %convert_element_type3A_116 = arith.extui %and3A_115 : vector<8x2048xi1> to vector<8x2048xi32>
        %convert_element_type3A_117 = arith.sitofp %convert_element_type3A_116 : vector<8x2048xi32> to vector<8x2048xf32>
        %reduce_sum3A_118 = arith.constant dense<0.000000e+00> : vector<8xf32>
        %reduce_sum3A_119 = vector.multi_reduction <add>, %convert_element_type3A_117, %reduce_sum3A_118 [1] : vector<8x2048xf32> to vector<8xf32>
        %broadcast_in_dim3A_120 = vector.shape_cast %reduce_sum3A_119 : vector<8xf32> to vector<8x1xf32>
        %lt3A_121 = arith.cmpf olt, %broadcast_in_dim3A_120, %sub3A_62 : vector<8x1xf32>
        %convert_element_type3A_122 = arith.extui %lt3A_121 : vector<8x1xi1> to vector<8x1xi32>
        %add3A_123 = arith.addi %broadcast_in_dim3A_109, %convert_element_type3A_122 : vector<8x1xi32>
        %mul3A_124 = arith.constant 2 : i32
        %mul3A_125 = arith.muli %mul3A_124, %shift_left3A_107 : i32
        %add3A_126 = vector.broadcast %mul3A_125 : i32 to vector<8x1xi32>
        %add3A_127 = arith.addi %scan3A_102, %add3A_126 : vector<8x1xi32>
        %lt3A_128 = vector.broadcast %add3A_127 : vector<8x1xi32> to vector<8x2048xi32>
        %lt3A_129 = arith.cmpi slt, %iota3A, %lt3A_128 : vector<8x2048xi32>
        %and3A_130 = arith.andi %eq3A_63, %lt3A_129 : vector<8x2048xi1>
        %convert_element_type3A_131 = arith.extui %and3A_130 : vector<8x2048xi1> to vector<8x2048xi32>
        %convert_element_type3A_132 = arith.sitofp %convert_element_type3A_131 : vector<8x2048xi32> to vector<8x2048xf32>
        %reduce_sum3A_133 = arith.constant dense<0.000000e+00> : vector<8xf32>
        %reduce_sum3A_134 = vector.multi_reduction <add>, %convert_element_type3A_132, %reduce_sum3A_133 [1] : vector<8x2048xf32> to vector<8xf32>
        %broadcast_in_dim3A_135 = vector.shape_cast %reduce_sum3A_134 : vector<8xf32> to vector<8x1xf32>
        %lt3A_136 = arith.cmpf olt, %broadcast_in_dim3A_135, %sub3A_62 : vector<8x1xf32>
        %convert_element_type3A_137 = arith.extui %lt3A_136 : vector<8x1xi1> to vector<8x1xi32>
        %add3A_138 = arith.addi %add3A_123, %convert_element_type3A_137 : vector<8x1xi32>
        %mul3A_139 = arith.constant 3 : i32
        %mul3A_140 = arith.muli %mul3A_139, %shift_left3A_107 : i32
        %add3A_141 = vector.broadcast %mul3A_140 : i32 to vector<8x1xi32>
        %add3A_142 = arith.addi %scan3A_102, %add3A_141 : vector<8x1xi32>
        %lt3A_143 = vector.broadcast %add3A_142 : vector<8x1xi32> to vector<8x2048xi32>
        %lt3A_144 = arith.cmpi slt, %iota3A, %lt3A_143 : vector<8x2048xi32>
        %and3A_145 = arith.andi %eq3A_63, %lt3A_144 : vector<8x2048xi1>
        %convert_element_type3A_146 = arith.extui %and3A_145 : vector<8x2048xi1> to vector<8x2048xi32>
        %convert_element_type3A_147 = arith.sitofp %convert_element_type3A_146 : vector<8x2048xi32> to vector<8x2048xf32>
        %reduce_sum3A_148 = arith.constant dense<0.000000e+00> : vector<8xf32>
        %reduce_sum3A_149 = vector.multi_reduction <add>, %convert_element_type3A_147, %reduce_sum3A_148 [1] : vector<8x2048xf32> to vector<8xf32>
        %broadcast_in_dim3A_150 = vector.shape_cast %reduce_sum3A_149 : vector<8xf32> to vector<8x1xf32>
        %lt3A_151 = arith.cmpf olt, %broadcast_in_dim3A_150, %sub3A_62 : vector<8x1xf32>
        %convert_element_type3A_152 = arith.extui %lt3A_151 : vector<8x1xi1> to vector<8x1xi32>
        %add3A_153 = arith.addi %add3A_138, %convert_element_type3A_152 : vector<8x1xi32>
        %mul3A_154 = arith.constant 4 : i32
        %mul3A_155 = arith.muli %mul3A_154, %shift_left3A_107 : i32
        %add3A_156 = vector.broadcast %mul3A_155 : i32 to vector<8x1xi32>
        %add3A_157 = arith.addi %scan3A_102, %add3A_156 : vector<8x1xi32>
        %lt3A_158 = vector.broadcast %add3A_157 : vector<8x1xi32> to vector<8x2048xi32>
        %lt3A_159 = arith.cmpi slt, %iota3A, %lt3A_158 : vector<8x2048xi32>
        %and3A_160 = arith.andi %eq3A_63, %lt3A_159 : vector<8x2048xi1>
        %convert_element_type3A_161 = arith.extui %and3A_160 : vector<8x2048xi1> to vector<8x2048xi32>
        %convert_element_type3A_162 = arith.sitofp %convert_element_type3A_161 : vector<8x2048xi32> to vector<8x2048xf32>
        %reduce_sum3A_163 = arith.constant dense<0.000000e+00> : vector<8xf32>
        %reduce_sum3A_164 = vector.multi_reduction <add>, %convert_element_type3A_162, %reduce_sum3A_163 [1] : vector<8x2048xf32> to vector<8xf32>
        %broadcast_in_dim3A_165 = vector.shape_cast %reduce_sum3A_164 : vector<8xf32> to vector<8x1xf32>
        %lt3A_166 = arith.cmpf olt, %broadcast_in_dim3A_165, %sub3A_62 : vector<8x1xf32>
        %convert_element_type3A_167 = arith.extui %lt3A_166 : vector<8x1xi1> to vector<8x1xi32>
        %add3A_168 = arith.addi %add3A_153, %convert_element_type3A_167 : vector<8x1xi32>
        %mul3A_169 = arith.constant 5 : i32
        %mul3A_170 = arith.muli %mul3A_169, %shift_left3A_107 : i32
        %add3A_171 = vector.broadcast %mul3A_170 : i32 to vector<8x1xi32>
        %add3A_172 = arith.addi %scan3A_102, %add3A_171 : vector<8x1xi32>
        %lt3A_173 = vector.broadcast %add3A_172 : vector<8x1xi32> to vector<8x2048xi32>
        %lt3A_174 = arith.cmpi slt, %iota3A, %lt3A_173 : vector<8x2048xi32>
        %and3A_175 = arith.andi %eq3A_63, %lt3A_174 : vector<8x2048xi1>
        %convert_element_type3A_176 = arith.extui %and3A_175 : vector<8x2048xi1> to vector<8x2048xi32>
        %convert_element_type3A_177 = arith.sitofp %convert_element_type3A_176 : vector<8x2048xi32> to vector<8x2048xf32>
        %reduce_sum3A_178 = arith.constant dense<0.000000e+00> : vector<8xf32>
        %reduce_sum3A_179 = vector.multi_reduction <add>, %convert_element_type3A_177, %reduce_sum3A_178 [1] : vector<8x2048xf32> to vector<8xf32>
        %broadcast_in_dim3A_180 = vector.shape_cast %reduce_sum3A_179 : vector<8xf32> to vector<8x1xf32>
        %lt3A_181 = arith.cmpf olt, %broadcast_in_dim3A_180, %sub3A_62 : vector<8x1xf32>
        %convert_element_type3A_182 = arith.extui %lt3A_181 : vector<8x1xi1> to vector<8x1xi32>
        %add3A_183 = arith.addi %add3A_168, %convert_element_type3A_182 : vector<8x1xi32>
        %mul3A_184 = arith.constant 6 : i32
        %mul3A_185 = arith.muli %mul3A_184, %shift_left3A_107 : i32
        %add3A_186 = vector.broadcast %mul3A_185 : i32 to vector<8x1xi32>
        %add3A_187 = arith.addi %scan3A_102, %add3A_186 : vector<8x1xi32>
        %lt3A_188 = vector.broadcast %add3A_187 : vector<8x1xi32> to vector<8x2048xi32>
        %lt3A_189 = arith.cmpi slt, %iota3A, %lt3A_188 : vector<8x2048xi32>
        %and3A_190 = arith.andi %eq3A_63, %lt3A_189 : vector<8x2048xi1>
        %convert_element_type3A_191 = arith.extui %and3A_190 : vector<8x2048xi1> to vector<8x2048xi32>
        %convert_element_type3A_192 = arith.sitofp %convert_element_type3A_191 : vector<8x2048xi32> to vector<8x2048xf32>
        %reduce_sum3A_193 = arith.constant dense<0.000000e+00> : vector<8xf32>
        %reduce_sum3A_194 = vector.multi_reduction <add>, %convert_element_type3A_192, %reduce_sum3A_193 [1] : vector<8x2048xf32> to vector<8xf32>
        %broadcast_in_dim3A_195 = vector.shape_cast %reduce_sum3A_194 : vector<8xf32> to vector<8x1xf32>
        %lt3A_196 = arith.cmpf olt, %broadcast_in_dim3A_195, %sub3A_62 : vector<8x1xf32>
        %convert_element_type3A_197 = arith.extui %lt3A_196 : vector<8x1xi1> to vector<8x1xi32>
        %add3A_198 = arith.addi %add3A_183, %convert_element_type3A_197 : vector<8x1xi32>
        %mul3A_199 = arith.constant 7 : i32
        %mul3A_200 = arith.muli %mul3A_199, %shift_left3A_107 : i32
        %add3A_201 = vector.broadcast %mul3A_200 : i32 to vector<8x1xi32>
        %add3A_202 = arith.addi %scan3A_102, %add3A_201 : vector<8x1xi32>
        %lt3A_203 = vector.broadcast %add3A_202 : vector<8x1xi32> to vector<8x2048xi32>
        %lt3A_204 = arith.cmpi slt, %iota3A, %lt3A_203 : vector<8x2048xi32>
        %and3A_205 = arith.andi %eq3A_63, %lt3A_204 : vector<8x2048xi1>
        %convert_element_type3A_206 = arith.extui %and3A_205 : vector<8x2048xi1> to vector<8x2048xi32>
        %convert_element_type3A_207 = arith.sitofp %convert_element_type3A_206 : vector<8x2048xi32> to vector<8x2048xf32>
        %reduce_sum3A_208 = arith.constant dense<0.000000e+00> : vector<8xf32>
        %reduce_sum3A_209 = vector.multi_reduction <add>, %convert_element_type3A_207, %reduce_sum3A_208 [1] : vector<8x2048xf32> to vector<8xf32>
        %broadcast_in_dim3A_210 = vector.shape_cast %reduce_sum3A_209 : vector<8xf32> to vector<8x1xf32>
        %lt3A_211 = arith.cmpf olt, %broadcast_in_dim3A_210, %sub3A_62 : vector<8x1xf32>
        %convert_element_type3A_212 = arith.extui %lt3A_211 : vector<8x1xi1> to vector<8x1xi32>
        %add3A_213 = arith.addi %add3A_198, %convert_element_type3A_212 : vector<8x1xi32>
        %mul3A_214 = arith.constant 8 : i32
        %mul3A_215 = arith.muli %mul3A_214, %shift_left3A_107 : i32
        %add3A_216 = vector.broadcast %mul3A_215 : i32 to vector<8x1xi32>
        %add3A_217 = arith.addi %scan3A_102, %add3A_216 : vector<8x1xi32>
        %lt3A_218 = vector.broadcast %add3A_217 : vector<8x1xi32> to vector<8x2048xi32>
        %lt3A_219 = arith.cmpi slt, %iota3A, %lt3A_218 : vector<8x2048xi32>
        %and3A_220 = arith.andi %eq3A_63, %lt3A_219 : vector<8x2048xi1>
        %convert_element_type3A_221 = arith.extui %and3A_220 : vector<8x2048xi1> to vector<8x2048xi32>
        %convert_element_type3A_222 = arith.sitofp %convert_element_type3A_221 : vector<8x2048xi32> to vector<8x2048xf32>
        %reduce_sum3A_223 = arith.constant dense<0.000000e+00> : vector<8xf32>
        %reduce_sum3A_224 = vector.multi_reduction <add>, %convert_element_type3A_222, %reduce_sum3A_223 [1] : vector<8x2048xf32> to vector<8xf32>
        %broadcast_in_dim3A_225 = vector.shape_cast %reduce_sum3A_224 : vector<8xf32> to vector<8x1xf32>
        %lt3A_226 = arith.cmpf olt, %broadcast_in_dim3A_225, %sub3A_62 : vector<8x1xf32>
        %convert_element_type3A_227 = arith.extui %lt3A_226 : vector<8x1xi1> to vector<8x1xi32>
        %add3A_228 = arith.addi %add3A_213, %convert_element_type3A_227 : vector<8x1xi32>
        %mul3A_229 = arith.constant 9 : i32
        %mul3A_230 = arith.muli %mul3A_229, %shift_left3A_107 : i32
        %add3A_231 = vector.broadcast %mul3A_230 : i32 to vector<8x1xi32>
        %add3A_232 = arith.addi %scan3A_102, %add3A_231 : vector<8x1xi32>
        %lt3A_233 = vector.broadcast %add3A_232 : vector<8x1xi32> to vector<8x2048xi32>
        %lt3A_234 = arith.cmpi slt, %iota3A, %lt3A_233 : vector<8x2048xi32>
        %and3A_235 = arith.andi %eq3A_63, %lt3A_234 : vector<8x2048xi1>
        %convert_element_type3A_236 = arith.extui %and3A_235 : vector<8x2048xi1> to vector<8x2048xi32>
        %convert_element_type3A_237 = arith.sitofp %convert_element_type3A_236 : vector<8x2048xi32> to vector<8x2048xf32>
        %reduce_sum3A_238 = arith.constant dense<0.000000e+00> : vector<8xf32>
        %reduce_sum3A_239 = vector.multi_reduction <add>, %convert_element_type3A_237, %reduce_sum3A_238 [1] : vector<8x2048xf32> to vector<8xf32>
        %broadcast_in_dim3A_240 = vector.shape_cast %reduce_sum3A_239 : vector<8xf32> to vector<8x1xf32>
        %lt3A_241 = arith.cmpf olt, %broadcast_in_dim3A_240, %sub3A_62 : vector<8x1xf32>
        %convert_element_type3A_242 = arith.extui %lt3A_241 : vector<8x1xi1> to vector<8x1xi32>
        %add3A_243 = arith.addi %add3A_228, %convert_element_type3A_242 : vector<8x1xi32>
        %mul3A_244 = arith.constant 10 : i32
        %mul3A_245 = arith.muli %mul3A_244, %shift_left3A_107 : i32
        %add3A_246 = vector.broadcast %mul3A_245 : i32 to vector<8x1xi32>
        %add3A_247 = arith.addi %scan3A_102, %add3A_246 : vector<8x1xi32>
        %lt3A_248 = vector.broadcast %add3A_247 : vector<8x1xi32> to vector<8x2048xi32>
        %lt3A_249 = arith.cmpi slt, %iota3A, %lt3A_248 : vector<8x2048xi32>
        %and3A_250 = arith.andi %eq3A_63, %lt3A_249 : vector<8x2048xi1>
        %convert_element_type3A_251 = arith.extui %and3A_250 : vector<8x2048xi1> to vector<8x2048xi32>
        %convert_element_type3A_252 = arith.sitofp %convert_element_type3A_251 : vector<8x2048xi32> to vector<8x2048xf32>
        %reduce_sum3A_253 = arith.constant dense<0.000000e+00> : vector<8xf32>
        %reduce_sum3A_254 = vector.multi_reduction <add>, %convert_element_type3A_252, %reduce_sum3A_253 [1] : vector<8x2048xf32> to vector<8xf32>
        %broadcast_in_dim3A_255 = vector.shape_cast %reduce_sum3A_254 : vector<8xf32> to vector<8x1xf32>
        %lt3A_256 = arith.cmpf olt, %broadcast_in_dim3A_255, %sub3A_62 : vector<8x1xf32>
        %convert_element_type3A_257 = arith.extui %lt3A_256 : vector<8x1xi1> to vector<8x1xi32>
        %add3A_258 = arith.addi %add3A_243, %convert_element_type3A_257 : vector<8x1xi32>
        %mul3A_259 = arith.constant 11 : i32
        %mul3A_260 = arith.muli %mul3A_259, %shift_left3A_107 : i32
        %add3A_261 = vector.broadcast %mul3A_260 : i32 to vector<8x1xi32>
        %add3A_262 = arith.addi %scan3A_102, %add3A_261 : vector<8x1xi32>
        %lt3A_263 = vector.broadcast %add3A_262 : vector<8x1xi32> to vector<8x2048xi32>
        %lt3A_264 = arith.cmpi slt, %iota3A, %lt3A_263 : vector<8x2048xi32>
        %and3A_265 = arith.andi %eq3A_63, %lt3A_264 : vector<8x2048xi1>
        %convert_element_type3A_266 = arith.extui %and3A_265 : vector<8x2048xi1> to vector<8x2048xi32>
        %convert_element_type3A_267 = arith.sitofp %convert_element_type3A_266 : vector<8x2048xi32> to vector<8x2048xf32>
        %reduce_sum3A_268 = arith.constant dense<0.000000e+00> : vector<8xf32>
        %reduce_sum3A_269 = vector.multi_reduction <add>, %convert_element_type3A_267, %reduce_sum3A_268 [1] : vector<8x2048xf32> to vector<8xf32>
        %broadcast_in_dim3A_270 = vector.shape_cast %reduce_sum3A_269 : vector<8xf32> to vector<8x1xf32>
        %lt3A_271 = arith.cmpf olt, %broadcast_in_dim3A_270, %sub3A_62 : vector<8x1xf32>
        %convert_element_type3A_272 = arith.extui %lt3A_271 : vector<8x1xi1> to vector<8x1xi32>
        %add3A_273 = arith.addi %add3A_258, %convert_element_type3A_272 : vector<8x1xi32>
        %mul3A_274 = arith.constant 12 : i32
        %mul3A_275 = arith.muli %mul3A_274, %shift_left3A_107 : i32
        %add3A_276 = vector.broadcast %mul3A_275 : i32 to vector<8x1xi32>
        %add3A_277 = arith.addi %scan3A_102, %add3A_276 : vector<8x1xi32>
        %lt3A_278 = vector.broadcast %add3A_277 : vector<8x1xi32> to vector<8x2048xi32>
        %lt3A_279 = arith.cmpi slt, %iota3A, %lt3A_278 : vector<8x2048xi32>
        %and3A_280 = arith.andi %eq3A_63, %lt3A_279 : vector<8x2048xi1>
        %convert_element_type3A_281 = arith.extui %and3A_280 : vector<8x2048xi1> to vector<8x2048xi32>
        %convert_element_type3A_282 = arith.sitofp %convert_element_type3A_281 : vector<8x2048xi32> to vector<8x2048xf32>
        %reduce_sum3A_283 = arith.constant dense<0.000000e+00> : vector<8xf32>
        %reduce_sum3A_284 = vector.multi_reduction <add>, %convert_element_type3A_282, %reduce_sum3A_283 [1] : vector<8x2048xf32> to vector<8xf32>
        %broadcast_in_dim3A_285 = vector.shape_cast %reduce_sum3A_284 : vector<8xf32> to vector<8x1xf32>
        %lt3A_286 = arith.cmpf olt, %broadcast_in_dim3A_285, %sub3A_62 : vector<8x1xf32>
        %convert_element_type3A_287 = arith.extui %lt3A_286 : vector<8x1xi1> to vector<8x1xi32>
        %add3A_288 = arith.addi %add3A_273, %convert_element_type3A_287 : vector<8x1xi32>
        %mul3A_289 = arith.constant 13 : i32
        %mul3A_290 = arith.muli %mul3A_289, %shift_left3A_107 : i32
        %add3A_291 = vector.broadcast %mul3A_290 : i32 to vector<8x1xi32>
        %add3A_292 = arith.addi %scan3A_102, %add3A_291 : vector<8x1xi32>
        %lt3A_293 = vector.broadcast %add3A_292 : vector<8x1xi32> to vector<8x2048xi32>
        %lt3A_294 = arith.cmpi slt, %iota3A, %lt3A_293 : vector<8x2048xi32>
        %and3A_295 = arith.andi %eq3A_63, %lt3A_294 : vector<8x2048xi1>
        %convert_element_type3A_296 = arith.extui %and3A_295 : vector<8x2048xi1> to vector<8x2048xi32>
        %convert_element_type3A_297 = arith.sitofp %convert_element_type3A_296 : vector<8x2048xi32> to vector<8x2048xf32>
        %reduce_sum3A_298 = arith.constant dense<0.000000e+00> : vector<8xf32>
        %reduce_sum3A_299 = vector.multi_reduction <add>, %convert_element_type3A_297, %reduce_sum3A_298 [1] : vector<8x2048xf32> to vector<8xf32>
        %broadcast_in_dim3A_300 = vector.shape_cast %reduce_sum3A_299 : vector<8xf32> to vector<8x1xf32>
        %lt3A_301 = arith.cmpf olt, %broadcast_in_dim3A_300, %sub3A_62 : vector<8x1xf32>
        %convert_element_type3A_302 = arith.extui %lt3A_301 : vector<8x1xi1> to vector<8x1xi32>
        %add3A_303 = arith.addi %add3A_288, %convert_element_type3A_302 : vector<8x1xi32>
        %mul3A_304 = arith.constant 14 : i32
        %mul3A_305 = arith.muli %mul3A_304, %shift_left3A_107 : i32
        %add3A_306 = vector.broadcast %mul3A_305 : i32 to vector<8x1xi32>
        %add3A_307 = arith.addi %scan3A_102, %add3A_306 : vector<8x1xi32>
        %lt3A_308 = vector.broadcast %add3A_307 : vector<8x1xi32> to vector<8x2048xi32>
        %lt3A_309 = arith.cmpi slt, %iota3A, %lt3A_308 : vector<8x2048xi32>
        %and3A_310 = arith.andi %eq3A_63, %lt3A_309 : vector<8x2048xi1>
        %convert_element_type3A_311 = arith.extui %and3A_310 : vector<8x2048xi1> to vector<8x2048xi32>
        %convert_element_type3A_312 = arith.sitofp %convert_element_type3A_311 : vector<8x2048xi32> to vector<8x2048xf32>
        %reduce_sum3A_313 = arith.constant dense<0.000000e+00> : vector<8xf32>
        %reduce_sum3A_314 = vector.multi_reduction <add>, %convert_element_type3A_312, %reduce_sum3A_313 [1] : vector<8x2048xf32> to vector<8xf32>
        %broadcast_in_dim3A_315 = vector.shape_cast %reduce_sum3A_314 : vector<8xf32> to vector<8x1xf32>
        %lt3A_316 = arith.cmpf olt, %broadcast_in_dim3A_315, %sub3A_62 : vector<8x1xf32>
        %convert_element_type3A_317 = arith.extui %lt3A_316 : vector<8x1xi1> to vector<8x1xi32>
        %add3A_318 = arith.addi %add3A_303, %convert_element_type3A_317 : vector<8x1xi32>
        %mul3A_319 = arith.constant 15 : i32
        %mul3A_320 = arith.muli %mul3A_319, %shift_left3A_107 : i32
        %add3A_321 = vector.broadcast %mul3A_320 : i32 to vector<8x1xi32>
        %add3A_322 = arith.addi %scan3A_102, %add3A_321 : vector<8x1xi32>
        %lt3A_323 = vector.broadcast %add3A_322 : vector<8x1xi32> to vector<8x2048xi32>
        %lt3A_324 = arith.cmpi slt, %iota3A, %lt3A_323 : vector<8x2048xi32>
        %and3A_325 = arith.andi %eq3A_63, %lt3A_324 : vector<8x2048xi1>
        %convert_element_type3A_326 = arith.extui %and3A_325 : vector<8x2048xi1> to vector<8x2048xi32>
        %convert_element_type3A_327 = arith.sitofp %convert_element_type3A_326 : vector<8x2048xi32> to vector<8x2048xf32>
        %reduce_sum3A_328 = arith.constant dense<0.000000e+00> : vector<8xf32>
        %reduce_sum3A_329 = vector.multi_reduction <add>, %convert_element_type3A_327, %reduce_sum3A_328 [1] : vector<8x2048xf32> to vector<8xf32>
        %broadcast_in_dim3A_330 = vector.shape_cast %reduce_sum3A_329 : vector<8xf32> to vector<8x1xf32>
        %lt3A_331 = arith.cmpf olt, %broadcast_in_dim3A_330, %sub3A_62 : vector<8x1xf32>
        %convert_element_type3A_332 = arith.extui %lt3A_331 : vector<8x1xi1> to vector<8x1xi32>
        %add3A_333 = arith.addi %add3A_318, %convert_element_type3A_332 : vector<8x1xi32>
        %mul3A_334 = vector.broadcast %shift_left3A_107 : i32 to vector<8x1xi32>
        %mul3A_335 = arith.muli %add3A_333, %mul3A_334 : vector<8x1xi32>
        %add3A_336 = arith.addi %scan3A_102, %mul3A_335 : vector<8x1xi32>
        scf.yield %add3A_336 : vector<8x1xi32>
      }
      %scan3A_100 = arith.constant 3 : i32
      scf.yield %scan3A_99 : vector<8x1xi32>
    } else {
      %broadcast_in_dim3A_93 = arith.constant 2048 : i32
      %broadcast_in_dim3A_94 = vector.broadcast %broadcast_in_dim3A_93 : i32 to vector<8x1xi32>
      scf.yield %broadcast_in_dim3A_94 : vector<8x1xi32>
    }
    %le3A = vector.broadcast %cond3A_83 : vector<8x1xi32> to vector<8x2048xi32>
    %le3A_84 = arith.cmpi sle, %iota3A, %le3A : vector<8x2048xi32>
    %and3A = arith.andi %eq3A_63, %le3A_84 : vector<8x2048xi1>
    %or3A = arith.ori %gt3A_54, %and3A : vector<8x2048xi1>
    %convert_element_type3A_85 = arith.extui %or3A : vector<8x2048xi1> to vector<8x2048xi32>
    %convert_element_type3A_86 = arith.sitofp %convert_element_type3A_85 : vector<8x2048xi32> to vector<8x2048xf32>
    %swap3A_87 = arith.constant 0 : index
    %swap3A_88 = arith.constant 0 : index
    %swap3A_89 = vector.load %arg8[%swap3A_87, %swap3A_88] : memref<8x2048xf32, #tpu.memory_space<vmem>>, vector<8x2048xf32>
    tpu.vector_store %arg8[%swap3A_87, %swap3A_88], %convert_element_type3A_86 {strides = array<i32>} : memref<8x2048xf32, #tpu.memory_space<vmem>>, vector<8x2048xf32>,
    %mul3A = arith.mulf %sub3A_37, %convert_element_type3A_86 : vector<8x2048xf32>
    %swap3A_90 = arith.constant 0 : index
    %swap3A_91 = arith.constant 0 : index
    %swap3A_92 = vector.load %arg7[%swap3A_90, %swap3A_91] : memref<8x2048xf32, #tpu.memory_space<vmem>>, vector<8x2048xf32>
    tpu.vector_store %arg7[%swap3A_90, %swap3A_91], %mul3A {strides = array<i32>} : memref<8x2048xf32, #tpu.memory_space<vmem>>, vector<8x2048xf32>,
    return
  }
}

</mosaic_0001>

<sc_bundles>
// kernel: kernel.4.cloned.1.call-start
scs
__scs_entry_jumppad:
0x0: {  	(pc) =	sbr.rel $0x88, $3  }
0x1: {  	(tag) =	ssettag $0x0;
	lr =	simm.s32 $0x1  }
0x2: {  	[smem:$0x3F9B] =	sst lr;
	_ =	strace $0xD0000000  }
0x3: {  	_ = 	snop  }
0x4: {  	_ = 	snop  }
0x5: {  	_ = 	snop  }
0x6: {  	_ = 	snop  }
0x7: {  	_ = 	snop  }
__scs_overlays_trampoline_lowered:
0x8: {  	[smem:$0x3FAA] =	sst s0  }
0x9: {  	[smem:$0x3FAB] =	sst s1  }
0xa: {  	[smem:$0x3FAC] =	sst s2  }
0xb: {  	[smem:$0x3FAD] =	sst s3  }
0xc: {  	[smem:$0x3FAE] =	sst s4  }
0xd: {  	[smem:$0x3FAF] =	sst s5  }
0xe: {  	[smem:$0x3FB0] =	sst s6  }
0xf: {  	[smem:$0x3FB1] =	sst s7  }
0x10: {  	[smem:$0x3FB2] =	sst s8  }
0x11: {  	[smem:$0x3FB3] =	sst s9;
	s0 =	simm.s32 @!p0 $0x0  }
0x12: {  	s1 =	sld [smem:$0x3F99];
	s0 =	simm.s32 @p0 $0x1  }
0x13: {  	[smem:$0x3FB4] =	sst s0;
	s0 =	simm.s32 @!p1 $0x0  }
0x14: {  	s2 =	sld [smem:$0x3F98];
	s0 =	simm.s32 @p1 $0x1  }
0x15: {  	[smem:$0x3FB5] =	sst s0;
	s0 =	simm.s32 @!p2 $0x0  }
0x16: {  	s3 =	sld [smem:$0x3FDB];
	s0 =	simm.s32 @p2 $0x1  }
0x17: {  	s4 =	simm.s32 $0x1BF5;
	[smem:$0x3FB7] =	sst s0  }
0x18: {  	s0 =	sld [smem:$0x3F9A];
	_ =	swait.ge [sflag:s4], $0x0  }
0x19: {  	s7 =	sld [smem:$0x3F9B]  }
0x1a: {  	s8 =	sadd.s32 $0xFFFFE003, lr  }
0x1b: {  	s9 =	sadd.s32 $0xFFFFFEF7, lr;
	s5 =	simm.s32 $0xFFFFFFFF;
	p2 =	slt.u32 s8, $0xFFFFF086  }
0x1c: {  	p1 =	slt.u32 s9, $0xF7A;
	s5 =	simm.s32 @!p2 $0x0  }
0x1d: {  	s5 =	simm.s32 @p1 $0x1;
	p0 =	seq.s32 s7, s2  }
0x1e: {  	s7 =	smul.u32 @!p0 $0xF7A, s2;
	p2 =	seq.s32 @!p0 s5, $0x0  }
0x1f: {  	s9 =	smul.u32 $0xF7A, s1;
	s8 =	simm.s32 @!p0 $0x1BF5;
	p2 =	por !p2, p0  }
0x20: {  	[sflag:s8] =	ssyncset.s32 @!p0 $0xFFFFF086;
	s6 =	sadd.s32 @!p0 s3, s7;
	s7 =	simm.s32 @!p0 $0x108  }
0x21: {  	s3 =	sadd.s32 s3, s9;
	s6 =	sadd.s32 @!p0 $0x88, s6;
	s7 =	simm.s32 @p2 $0x1082  }
0x22: {  	[simem:s7], [sflag:s8] =	dma.local @!p0 [hbm:s6], $0xF7A  }
0x23: {  	s9 =	sor.u32 $0xD0000000, s2;
	s6 =	simm.s32 $0x108;
	_ =	swait.ge @!p0 [sflag:s8], $0x0  }
0x24: {  	s3 =	sadd.s32 $0x88, s3;
	s6 =	simm.s32 @!p1 $0x1082;
	[sflag:s4] =	ssyncset.s32 $0xFFFFF086  }
0x25: {  	[simem:s6], [sflag:s4] =	dma.local [hbm:s3], $0xF7A  }
0x26: {  	[smem:$0x3F9B] =	sst s1;
	(tag) =	ssettag s2;
	_ =	strace s9  }
0x27: {  	s1 =	sld [smem:$0x3FAB]  }
0x28: {  	s2 =	sld [smem:$0x3FAC]  }
0x29: {  	s4 =	sld [smem:$0x3FAE]  }
0x2a: {  	p0 =	seq.s32 s5, $0x0;
	s5 =	sld [smem:$0x3FAF]  }
0x2b: {  	s6 =	sld [smem:$0x3FB0]  }
0x2c: {  	s7 =	sld [smem:$0x3FB1]  }
0x2d: {  	s3 =	simm.s32 $0x108;
	s8 =	sld [smem:$0x3FB2]  }
0x2e: {  	s3 =	simm.s32 @!p0 $0x1082;
	s9 =	sld [smem:$0x3FB3]  }
0x2f: {  	lr =	sadd.s32 s0, s3;
	s0 =	sld [smem:$0x3FAA]  }
0x30: {  	s3 =	sld [smem:$0x3FAD]  }
0x31: {  	[smem:$0x3FB6] =	sst s10  }
0x32: {  	s10 =	sld [smem:$0x3FB4];
	_ =	sdelay $0x3  }
0x33: {  	p0 =	seq.s32 s10, $0x1;
	s10 =	sld [smem:$0x3FB6];
	_ =	sdelay $0x3  }
0x34: {  	[smem:$0x3FB6] =	sst s10  }
0x35: {  	s10 =	sld [smem:$0x3FB5];
	_ =	sdelay $0x3  }
0x36: {  	p1 =	seq.s32 s10, $0x1;
	s10 =	sld [smem:$0x3FB6];
	_ =	sdelay $0x3  }
0x37: {  	[smem:$0x3FB6] =	sst s10  }
0x38: {  	s10 =	sld [smem:$0x3FB7]  }
0x39: {  	_ = 	snop;
	(pc) =	sbr.ind lr, $3  }
0x3a: {  	_ = 	snop  }
0x3b: {  	_ = 	snop  }
0x3c: {  	p2 =	seq.s32 s10, $0x1;
	s10 =	sld [smem:$0x3FB6]  }
0x3d: {  	_ =	shalt  }
0x3e: {  	_ =	shalt  }
0x3f: {  	_ =	shalt  }
0x40: {  	_ =	shalt  }
0x41: {  	_ =	shalt  }
0x42: {  	_ =	shalt  }
0x43: {  	_ =	shalt  }
0x44: {  	_ =	shalt  }
0x45: {  	_ =	shalt  }
0x46: {  	_ =	shalt  }
0x47: {  	_ =	shalt  }
0x48: {  	_ =	shalt  }
0x49: {  	_ =	shalt  }
0x4a: {  	_ =	shalt  }
0x4b: {  	_ =	shalt  }
0x4c: {  	_ =	shalt  }
0x4d: {  	_ =	shalt  }
0x4e: {  	_ =	shalt  }
0x4f: {  	_ =	shalt  }
0x50: {  	_ =	shalt  }
0x51: {  	_ =	shalt  }
0x52: {  	_ =	shalt  }
0x53: {  	_ =	shalt  }
0x54: {  	_ =	shalt  }
0x55: {  	_ =	shalt  }
0x56: {  	_ =	shalt  }
0x57: {  	_ =	shalt  }
0x58: {  	_ =	shalt  }
0x59: {  	_ =	shalt  }
0x5a: {  	_ =	shalt  }
0x5b: {  	_ =	shalt  }
0x5c: {  	_ =	shalt  }
0x5d: {  	_ =	shalt  }
0x5e: {  	_ =	shalt  }
0x5f: {  	_ =	shalt  }
0x60: {  	_ =	shalt  }
0x61: {  	_ =	shalt  }
0x62: {  	_ =	shalt  }
0x63: {  	_ =	shalt  }
0x64: {  	_ =	shalt  }
0x65: {  	_ =	shalt  }
0x66: {  	_ =	shalt  }
0x67: {  	_ =	shalt  }
0x68: {  	_ =	shalt  }
0x69: {  	_ =	shalt  }
0x6a: {  	_ =	shalt  }
0x6b: {  	_ =	shalt  }
0x6c: {  	_ =	shalt  }
0x6d: {  	_ =	shalt  }
0x6e: {  	_ =	shalt  }
0x6f: {  	_ =	shalt  }
0x70: {  	_ =	shalt  }
0x71: {  	_ =	shalt  }
0x72: {  	_ =	shalt  }
0x73: {  	_ =	shalt  }
0x74: {  	_ =	shalt  }
0x75: {  	_ =	shalt  }
0x76: {  	_ =	shalt  }
0x77: {  	_ =	shalt  }
0x78: {  	_ =	shalt  }
0x79: {  	_ =	shalt  }
0x7a: {  	_ =	shalt  }
0x7b: {  	_ =	shalt  }
0x7c: {  	_ =	shalt  }
0x7d: {  	_ =	shalt  }
0x7e: {  	_ =	shalt  }
0x7f: {  	_ =	shalt  }
0x80: {  	_ =	shalt  }
0x81: {  	_ =	shalt  }
0x82: {  	_ =	shalt  }
0x83: {  	_ =	shalt  }
0x84: {  	_ =	shalt  }
0x85: {  	_ =	shalt  }
0x86: {  	_ =	shalt  }
0x87: {  	_ =	shalt  }
.Lfunc_end0:
.L_simem_size_0:
called_computation_lowered:
.L_overlay_start_0:
0x88: {  	s2 =	sld [smem:$0x3FD9]  }
0x89: {  	s3 =	sld [smem:$0x3FFE];
	_ =	sdelay $0x1  }
0x8a: {  	s1 =	srdreg.scid  }
0x8b: {  	s0 =	sand.u32 $0x1, s1  }
0x8c: {  	s17 =	sshll.u32 s0, $0xA;
	s2 =	sadd.s32 s3, s2  }
0x8d: {  	s2 =	sadd.s32 s2, s17  }
0x8e: {  	[smem:$0x3FC2] =	sst s2  }
0x8f: {  	_ = 	snop  }
0x90: {  	s2 =	sld [smem:$0x3FC9];
	(tm) =	ssettm $0x1  }
0x91: {  	s18 =	sld [smem:$0x3FFB];
	_ =	sdelay $0x3  }
0x92: {  	_ =	strace s18  }
0x93: {  	s3 =	sld [smem:$0x3FFC];
	_ =	sdelay $0x3  }
0x94: {  	_ =	strace s3  }
0x95: {  	s3 =	sld [smem:$0x3FFD];
	_ =	sdelay $0x3  }
0x96: {  	_ =	strace s3  }
0x97: {  	_ =	strace $0x8FFFFFFF  }
0x98: {  	s19 =	sld [smem:$0x3FDB];
	_ =	sdelay $0x1  }
0x99: {  	s4 =	simm.s32 $_scs_section_size  }
0x9a: {  	s5 =	simm.s32 $_size__tile_overlayer_lowered;
	s6 =	simm.s32 $_tile_overlayer_lowered  }
0x9b: {  	s22 =	simm.s32 $0x1BFF;
	s21 =	sshll.u32 s6, $0x1;
	s3 =	sadd.s32 s4, s19  }
0x9c: {  	s7 =	simm.s32 $0x0;
	s20 =	sshll.u32 s5, $0x1;
	s5 =	sadd.s32 s21, s3  }
0x9d: {  	[timem:s7], [sflag:s22] =	dma.local [hbm:s5], s20  }
0x9e: {  	_ =	swait.ge [sflag:s22], s20  }
0x9f: {  	s4 =	ssub.s32 $0x0, s20;
	[sflag:s22] =	ssyncset.done $0x0  }
0xa0: {  	[sflag:s22] =	ssyncadd.s32 s4;
	_ =	sdelay $0x1  }
0xa1: {  	s23 =	simm.s32 $0x1B8B  }
0xa2: {  	_ =	swait.ge [sflag:s23], $0x1  }
0xa3: {  	[sflag:s23] =	ssyncset.done $0x0  }
0xa4: {  	s25 =	simm.s32 $0x1B8E;
	s24 =	sld [smem:$0x3FFE];
	[sflag:s23] =	ssyncadd.s32 $0xFFFFFFFF  }
0xa5: {  	s26 =	simm.s32 $execute0_lowered;
	[smem:$0x3FD2] =	sst s25  }
0xa6: {  	s5 =	sshll.u32 s26, $0x1;
	_ =	strace $0x80000046;
	[dreg:$0x1] =	wrdreg $0xFFFFFFFF  }
0xa7: {  	s28 =	simm.s32 $_size_execute0_lowered;
	s3 =	sadd.s32 s3, s5;
	[dreg:$0x0] =	wrdreg $0x0  }
0xa8: {  	s5 =	sshll.u32 s28, $0x1;
	[dreg:$0x2] =	wrdreg s3  }
0xa9: {  	[dreg:$0x3] =	wrdreg s5  }
0xaa: {  	[dreg:$0x4] =	wrdreg $0xC0  }
0xab: {  	_ =	task [dreg:s7], $0x5FFFF  }
0xac: {  	[dreg:$0x1] =	wrdreg $0xFFFFFFFF  }
0xad: {  	[dreg:$0x0] =	wrdreg $0x60  }
0xae: {  	[dreg:$0x2] =	wrdreg s2  }
0xaf: {  	[dreg:$0x3] =	wrdreg s24  }
0xb0: {  	[dreg:$0x4] =	wrdreg $0x9  }
0xb1: {  	_ =	task.clear_ibuf [dreg:s7], $0x5FFFF;
	_ =	strace $0x90000046  }
0xb2: {  	s29 =	simm.s32 $0x9;
	_ =	strace $0x80000048  }
0xb3: {  	_ =	swait.ge [sflag:s29], $0x1  }
0xb4: {  	[sflag:s29] =	ssyncadd.s32 $0xFFFFFFFF  }
0xb5: {  	_ =	strace $0x90000048  }
0xb6: {  	_ =	sfence  }
0xb7: {  	s30 =	sld [smem:$0x0];
	_ =	sdelay $0x2  }
0xb8: {  	s31 =	sshll.u32 s1, $0xD;
	s1 =	sshrl.u32 s1, $0x2  }
0xb9: {  	s3 =	sand.u32 $0x4000, s31;
	s1 =	sadd.s32 s1, s30  }
0xba: {  	s0 =	sor.u32 s3, s0;
	s1 =	sshll.u32 s1, $0x11  }
0xbb: {  	s0 =	sor.u32 s1, s0  }
0xbc: {  	s0 =	sadd.s32 $0x8F2B, s0  }
0xbd: {  	[sflag:s0] =	ssyncadd.remote.s32 $0x1  }
0xbe: {  	_ =	sfence.sel $0xFFFF  }
0xbf: {  	[dreg:$0x0] =	wrdreg $0xFFFFFFFF;
	(pc) =	sbr.abs _section_cstart, $3  }
0xc0: {  	[dreg:$0x1] =	wrdreg $0xFFFFFFFF  }
0xc1: {  	_ =	task.clear_ibuf [dreg:s7], $0x2FFFF;
	_ =	strace $0x9FFFFFFF  }
0xc2: {  	(tm) =	ssettm $0x7FFFFFFF  }
0xc3: {  	_ =	shalt  }
tec
execute0_lowered:
.L_overlay_start_1:
0x0: {  	(tag) =	ssettag $0x1  }
0x1: {  	s1 =	stileid.u32  }
0x2: {  	p0 =	sgt.u32 s1, $0x3  }
.Ltmp0:
0x3: {  	_ = 	snop;
	(pc) =	sbr.rel @p0 .LBB2_7-.Ltmp0, $4  }
0x4: {  	s4 =	rddreg [dreg:$0x0]  }
0x5: {  	s3 =	rddreg [dreg:$0x1];
	s2 =	simm.s32 $0x0  }
0x6: {  	[smem:$0x7FF] =	sst s2  }
0x7: {  	s0 =	rddreg [dreg:$0x2];
	_ =	strace $0x80000047  }
0x8: {  	s5 =	srdreg.scid;
	s6 =	sshll.u32 s1, $0x5  }
0x9: {  	s8 =	simm.s32 $0x1;
	s9 =	simm.s32 $0x800;
	s5 =	sand.u32 $0x1, s5  }
0xa: {  	s10 =	simm.s32 $0x2;
	s7 =	sshll.u32 s5, $0x4;
	s5 =	ssub.s32 $0x2, s5  }
0xb: {  	s6 =	sor.u32 s7, s6;
	s31 =	sshrl.u32 s5, $0x1;
	s7 =	simm.s32 $0x400  }
0xc: {  	s3 =	sadd.s32 s6, s3;
	s5 =	ssub.s32 s5, s31;
	s4 =	sadd.s32 s4, s6  }
0xd: {  	v0 =	vimm.f32 $0.0e+00;
	v1 =	vimm.f32 $1.000000000e+00;
	s6 =	simm.s32 $0x80;
	s3 =	sadd.s32 $0x1000, s3;
	s5 =	smax.u32 s5, $0x1  }
.LBB2_2:
0xe: {  	s11 =	simm.s32 $0x0  }
0xf: {  	[tilespmem:s11], [sflag:$0x1] =	stream.strided.gather [hbm4b:s4+s6], $0x800, s7, s6, $0x38;
	[tilespmem:$0x8500] =	vst v63  }
0x10: {  	s12 =	simm.s32 $0x400;
	s11 =	simm.s32 $0x0  }
.LBB2_3:
0x11: {  	p0 =	sne.s32 s12, $0x1F000;
	[tilespmem:s11+$0x8F0] =	vst v0  }
0x12: {  	[tilespmem:s11+$0x800] =	vst v0  }
0x13: {  	[tilespmem:s11+$0x810] =	vst v0  }
0x14: {  	[tilespmem:s11+$0x820] =	vst v0  }
0x15: {  	[tilespmem:s11+$0x830] =	vst v0  }
0x16: {  	[tilespmem:s11+$0x840] =	vst v0  }
0x17: {  	[tilespmem:s11+$0x850] =	vst v0  }
0x18: {  	[tilespmem:s11+$0x860] =	vst v0  }
0x19: {  	[tilespmem:s11+$0x870] =	vst v0  }
0x1a: {  	[tilespmem:s11+$0x880] =	vst v0  }
0x1b: {  	[tilespmem:s11+$0x890] =	vst v0  }
.Ltmp1:
0x1c: {  	[tilespmem:s11+$0x8A0] =	vst v0;
	(pc) =	sbr.rel @p0 .LBB2_3-.Ltmp1, $4  }
0x1d: {  	[tilespmem:s11+$0x8B0] =	vst v0  }
0x1e: {  	[tilespmem:s11+$0x8C0] =	vst v0  }
0x1f: {  	[tilespmem:s11+$0x8D0] =	vst v0  }
0x20: {  	[tilespmem:s11+$0x8E0] =	vst v0;
	s11 =	sshra.s32 s12, $0x2;
	s12 =	sadd.s32 $0x400, s12  }
0x21: {  	[tilespmem:s11+$0x8F0] =	vst v0  }
0x22: {  	[tilespmem:s11+$0x800] =	vst v0  }
0x23: {  	[tilespmem:s11+$0x810] =	vst v0  }
0x24: {  	[tilespmem:s11+$0x820] =	vst v0  }
0x25: {  	[tilespmem:s11+$0x830] =	vst v0  }
0x26: {  	[tilespmem:s11+$0x840] =	vst v0  }
0x27: {  	[tilespmem:s11+$0x850] =	vst v0  }
0x28: {  	[tilespmem:s11+$0x860] =	vst v0  }
0x29: {  	[tilespmem:s11+$0x870] =	vst v0  }
0x2a: {  	[tilespmem:s11+$0x880] =	vst v0  }
0x2b: {  	[tilespmem:s11+$0x890] =	vst v0  }
0x2c: {  	[tilespmem:s11+$0x8A0] =	vst v0  }
0x2d: {  	[tilespmem:s11+$0x8B0] =	vst v0  }
0x2e: {  	[tilespmem:s11+$0x8C0] =	vst v0  }
0x2f: {  	[tilespmem:s11+$0x8D0] =	vst v0  }
0x30: {  	[tilespmem:s11+$0x8E0] =	vst v0  }
0x31: {  	_ =	swait.ge [sflag:s8], $0x800  }
0x32: {  	[sflag:s8] =	ssyncset.done $0x0  }
0x33: {  	s11 =	simm.s32 $0x0;
	[sflag:s8] =	ssyncadd.s32 $0xFFFFF800  }
.LBB2_5:
0x34: {  	s12 =	sshra.s32 s11, $0x2  }
0x35: {  	v2 =	vld [tilespmem:s12+$0x0];
	_ =	sdelay $0x7  }
0x36: {  	[tilespmem:v2+s9+$0x0] =	vst.idx.add.f32.msk $0xffff, v1  }
0x37: {  	v2 =	vld [tilespmem:s12+$0x10];
	_ =	sdelay $0x7  }
0x38: {  	[tilespmem:v2+s9+$0x0] =	vst.idx.add.f32.msk $0xffff, v1  }
0x39: {  	v2 =	vld [tilespmem:s12+$0x20];
	_ =	sdelay $0x7  }
0x3a: {  	[tilespmem:v2+s9+$0x0] =	vst.idx.add.f32.msk $0xffff, v1  }
0x3b: {  	v2 =	vld [tilespmem:s12+$0x30];
	_ =	sdelay $0x2  }
0x3c: {  	p0 =	sne.s32 s11, $0x1F00  }
.Ltmp2:
0x3d: {  	_ = 	snop;
	(pc) =	sbr.rel @p0 .LBB2_5-.Ltmp2, $2  }
0x3e: {  	_ =	sdelay $0x2  }
0x3f: {  	s11 =	sadd.s32 $0x100, s11;
	[tilespmem:v2+s9+$0x0] =	vst.idx.add.f32.msk $0xffff, v1  }
0x40: {  	s2 =	sadd.s32 $0x1, s2  }
0x41: {  	p0 =	sne.s32 s2, s5  }
.Ltmp3:
0x42: {  	_ = 	snop;
	(pc) =	sbr.rel @p0 .LBB2_2-.Ltmp3, $4  }
0x43: {  	[hbm4b:s3+s6] =	stream.strided.scatter [tilespmem:s9], [sflag:$0x2], $0x7D00, s7, s6, $0x38;
	[tilespmem:$0x8500] =	vst v63  }
0x44: {  	_ =	swait.ge [sflag:s10], $0x7D00  }
0x45: {  	[sflag:s10] =	ssyncset.done $0x0  }
0x46: {  	[sflag:s10] =	ssyncadd.s32 $0xFFFF8300  }
.LBB2_7:
0x47: {  	_ =	sfence.sel $0x180000  }
0x48: {  	[bflag:$0x0] =	sbarrier.arrive $0xFFFF  }
0x49: {  	p0 =	sne.s32 s1, $0x0;
	_ =	strace $0x90000047  }
0x4a: {  	s0 =	sadd.s32 @!p0 $0x100000, s0;
	[bflag:$0x2] =	sbarrier.arrive $0xFFFF  }
0x4b: {  	[sflag:s0] =	ssyncadd.tile.s32 @!p0 $0x1;
	_ =	shalt  }
.Lfunc_end2:
_tile_overlayer_lowered:
.L_overlay_start_2:
0x4c: {  	(tag) =	ssettag $0x2  }
0x4d: {  	s0 =	rddreg [dreg:$0x0];
	s2 =	stileid.u32  }
0x4e: {  	s1 =	rddreg [dreg:$0x1];
	p0 =	sne.s32 s2, $0x0  }
0x4f: {  	s3 =	rddreg [dreg:$0x2];
	[bflag:$0x3] =	sbarrier.arrive $0xFFFF;
	s2 =	simm.s32 @!p0 $0x1C02  }
0x50: {  	[timem:s3], [sflag:s2] =	dma.local @!p0 [hbm:s0], s1  }
0x51: {  	s0 =	simm.s32 @!p0 $0x2  }
0x52: {  	_ =	swait.ge @!p0 [sflag:s0], s1  }
0x53: {  	s1 =	ssub.s32 @!p0 $0x0, s1;
	[sflag:s0] =	ssyncset.done @!p0 $0x0  }
0x54: {  	[sflag:s0] =	ssyncadd.s32 @!p0 s1  }
0x55: {  	[bflag:$0x3] =	sbarrier.arrive $0xFFFF  }
0x56: {  	_ =	shalt  }

</sc_bundles>
